<compile_context>
chip_gen: v7x
topology: tpu7x:2x2x1
jax: 0.10.2.dev20260603
libtpu: 0.0.44.dev20260713+nightly
codegen_flags: <defaults>
</compile_context>

<pallas_src>
import functools

import jax
import jax.numpy as jnp
import numpy as np
from jax import lax
from jax.experimental import pallas as pl
from jax.experimental.pallas import tpu as pltpu
from jax.experimental.pallas import tpu_sc as plsc

VOCAB = 1000000
D = 64
BATCH = 1024
SEQ = 200
NW = 32
NTB = 8
BB = BATCH // NTB
NSG = NW // NTB
SG = SEQ // NSG
NBUF = 5
SCALE = 8.0


def _pos_encoding() -> np.ndarray:
    depth = D / 2
    positions = np.arange(SEQ)[:, np.newaxis]
    depths = np.arange(depth)[np.newaxis, :] / depth
    angle_rates = 1 / 10000 ** depths
    angle_rads = positions * angle_rates
    pe = np.concatenate([np.sin(angle_rads), np.cos(angle_rads)], axis=-1)
    return np.asarray(pe, dtype=np.float32)


_POS = _pos_encoding()

_mesh = plsc.VectorSubcoreMesh(core_axis_name="c", subcore_axis_name="s")


@functools.partial(
    pl.kernel,
    mesh=_mesh,
    compiler_params=pltpu.CompilerParams(use_tc_tiling_on_sc=False),
    out_type=jax.ShapeDtypeStruct((BATCH, SEQ // 2, 2 * D), jnp.float32),
    scratch_types=[
        pltpu.VMEM((SG, BB), jnp.int32),
        pltpu.VMEM((SG, D), jnp.float32),
        pltpu.VMEM((NBUF, BB, D), jnp.float32),
        pltpu.VMEM((NBUF, BB, D), jnp.float32),
        pltpu.SemaphoreType.DMA,
        pltpu.SemaphoreType.DMA,
    ],
)
def _embed_kernel(
    xt_hbm, pos_hbm, table_hbm, out_hbm, idx_v, pos_v, bufs, obufs, gsem, wsem
):
    cc = lax.axis_index("c")
    ss = lax.axis_index("s")
    wid = ss * 2 + cc
    tb = wid % NTB
    s0 = (wid // NTB) * SG
    b0 = tb * BB

    pltpu.sync_copy(xt_hbm.at[pl.ds(s0, SG), pl.ds(b0, BB)], idx_v)
    pltpu.sync_copy(pos_hbm.at[pl.ds(s0, SG)], pos_v)

    for b in range(NBUF):
        pltpu.async_copy(table_hbm.at[idx_v.at[b]], bufs.at[b], gsem)

    def outer(o, carry):
        for b in range(NBUF):
            blk = o * NBUF + b
            buf = bufs.at[b]
            obuf = obufs.at[b]
            pltpu.make_async_copy(table_hbm.at[idx_v.at[blk]], buf, gsem).wait()
            @pl.when(blk >= NBUF)
            def _():
                pltpu.make_async_copy(
                    obuf, out_hbm.at[pl.ds(b0, BB), 0, pl.ds(0, D)], wsem
                ).wait()

            p0 = pos_v[blk, pl.ds(0, 16)]
            p1 = pos_v[blk, pl.ds(16, 16)]
            p2 = pos_v[blk, pl.ds(32, 16)]
            p3 = pos_v[blk, pl.ds(48, 16)]

            def row(r, pc):
                q0, q1, q2, q3 = pc
                obuf[r, pl.ds(0, 16)] = buf[r, pl.ds(0, 16)] * SCALE + q0
                obuf[r, pl.ds(16, 16)] = buf[r, pl.ds(16, 16)] * SCALE + q1
                obuf[r, pl.ds(32, 16)] = buf[r, pl.ds(32, 16)] * SCALE + q2
                obuf[r, pl.ds(48, 16)] = buf[r, pl.ds(48, 16)] * SCALE + q3
                return pc

            lax.fori_loop(0, BB, row, (p0, p1, p2, p3))

            s = s0 + blk
            pltpu.async_copy(
                obuf,
                out_hbm.at[pl.ds(b0, BB), s // 2, pl.ds((s % 2) * D, D)],
                wsem,
            )

            @pl.when(blk + NBUF < SG)
            def _():
                pltpu.async_copy(table_hbm.at[idx_v.at[blk + NBUF]], bufs.at[b], gsem)
        return carry

    lax.fori_loop(0, SG // NBUF, outer, 0)

    for b in range(NBUF):
        pltpu.make_async_copy(
            obufs.at[b], out_hbm.at[pl.ds(b0, BB), 0, pl.ds(0, D)], wsem
        ).wait()


def kernel(x, table):
    xt = jnp.transpose(x.astype(jnp.int32))
    out = _embed_kernel(xt, _POS, table)
    return jnp.reshape(out, (BATCH, SEQ, D))

# --- scband reference (transcript-rebuilt; emitter-appended) ---
"""Pipeline reference for scband-positional-encoding-28235115004351 (READ-ONLY COPY).

The authoritative reference and input builder live on the scoring server;
editing this copy changes nothing except your own understanding.
"""

import jax, jax.numpy as jnp
import numpy as np

VOCAB_SIZE = 1000000
EMBED_SIZE = 64
BATCH = 1024
SEQ_LEN = 200


def positional_encoding(length, depth):
    depth = depth / 2
    positions = np.arange(length)[:, np.newaxis]
    depths = np.arange(depth)[np.newaxis, :] / depth
    angle_rates = 1 / 10000 ** depths
    angle_rads = positions * angle_rates
    pos_encoding = np.concatenate([np.sin(angle_rads), np.cos(angle_rads)], axis=-1)
    return jnp.asarray(pos_encoding, dtype=jnp.float32)


def setup_inputs(seed: int = 0) -> dict:
    key = jax.random.key(seed)
    k1, k2 = jax.random.split(key)
    x = jax.random.randint(k1, (BATCH, SEQ_LEN), 0, VOCAB_SIZE, dtype=jnp.int64 if jax.config.jax_enable_x64 else jnp.int32)
    # Keras Embedding default init: uniform(-0.05, 0.05)
    table = jax.random.uniform(k2, (VOCAB_SIZE, EMBED_SIZE), minval=-0.05, maxval=0.05, dtype=jnp.float32)
    return {"x": x, "table": table}


def reference(x, table):
    pos_encoding = positional_encoding(2048, EMBED_SIZE)
    seq_len = x.shape[1]
    embed_x = jnp.take(table, x, axis=0)
    embed_x = embed_x * jnp.sqrt(jnp.asarray(EMBED_SIZE, dtype=jnp.float32))
    embed_x = embed_x + pos_encoding[jnp.newaxis, :seq_len, :]
    return embed_x

if __name__ == "__main__":
    import jax
    _d = setup_inputs()
    print(jax.jit(kernel)(*tuple(_d.values())))

</pallas_src>

<mosaic_0001>
#map = affine_map<(d0, d1) -> (0, 0)>
#map1 = affine_map<(d0, d1) -> (0, 0, 0)>
module attributes {stable_mosaic.version = 14 : i64} {
  func.func @_embed_kernel(%arg0: i32, %arg1: i32, %arg2: memref<200x1024xi32, #tpu.memory_space<hbm>>, %arg3: memref<200x64xf32, #tpu.memory_space<hbm>>, %arg4: memref<1000000x64xf32, #tpu.memory_space<hbm>>, %arg5: memref<1024x100x128xf32, #tpu.memory_space<hbm>>, %arg6: memref<50x128xi32, #tpu.memory_space<vmem>>, %arg7: memref<50x64xf32, #tpu.memory_space<vmem>>, %arg8: memref<5x128x64xf32, #tpu.memory_space<vmem>>, %arg9: memref<5x128x64xf32, #tpu.memory_space<vmem>>, %arg10: memref<!tpu.dma_semaphore, #tpu.memory_space<semaphore_mem>>, %arg11: memref<!tpu.dma_semaphore, #tpu.memory_space<semaphore_mem>>) attributes {dimension_semantics = [#tpu.dimension_semantics<core_parallel>, #tpu.dimension_semantics<subcore_parallel>], iteration_bounds = array<i64: 2, 16>, scalar_prefetch = 0 : i64, scratch_operands = 6 : i64, tpu.core_type = #tpu.core_type<sc_vector_subcore>, window_params = [{transform_indices = #map}, {transform_indices = #map}, {transform_indices = #map}, {transform_indices = #map1}]} {
    %mul3A = arith.constant 2 : i32
    %mul3A_0 = arith.muli %arg1, %mul3A : i32
    %add3A = arith.addi %mul3A_0, %arg0 : i32
    %jit3A = arith.constant 8 : i32
    %eq3A = arith.constant 0 : i32
    %eq3A_1 = arith.cmpi eq, %jit3A, %eq3A : i32
    %jit3A_2 = arith.constant 1 : i32
    %select_n3A = arith.select %eq3A_1, %jit3A_2, %jit3A : i32
    %rem3A = arith.remsi %add3A, %select_n3A : i32
    %ne3A = arith.constant 0 : i32
    %ne3A_3 = arith.cmpi ne, %rem3A, %ne3A : i32
    %lt3A = arith.constant 0 : i32
    %lt3A_4 = arith.cmpi slt, %rem3A, %lt3A : i32
    %lt3A_5 = arith.constant 0 : i32
    %lt3A_6 = arith.cmpi slt, %select_n3A, %lt3A_5 : i32
    %ne3A_7 = arith.xori %lt3A_4, %lt3A_6 : i1
    %and3A = arith.andi %ne3A_7, %ne3A_3 : i1
    %add3A_8 = arith.addi %rem3A, %select_n3A : i32
    %select_n3A_9 = arith.select %and3A, %add3A_8, %rem3A : i32
    %jit3A_10 = arith.constant 8 : i32
    %div3A = arith.divsi %add3A, %jit3A_10 : i32
    %sign3A = arith.constant 0 : i32
    %sign3A_11 = arith.cmpi sgt, %add3A, %sign3A : i32
    %sign3A_12 = arith.extui %sign3A_11 : i1 to i32
    %sign3A_13 = arith.constant 0 : i32
    %sign3A_14 = arith.cmpi slt, %add3A, %sign3A_13 : i32
    %sign3A_15 = arith.extui %sign3A_14 : i1 to i32
    %sign3A_16 = arith.subi %sign3A_12, %sign3A_15 : i32
    %sign3A_17 = arith.constant 0 : i32
    %sign3A_18 = arith.cmpi sgt, %jit3A_10, %sign3A_17 : i32
    %sign3A_19 = arith.extui %sign3A_18 : i1 to i32
    %sign3A_20 = arith.constant 0 : i32
    %sign3A_21 = arith.cmpi slt, %jit3A_10, %sign3A_20 : i32
    %sign3A_22 = arith.extui %sign3A_21 : i1 to i32
    %sign3A_23 = arith.subi %sign3A_19, %sign3A_22 : i32
    %ne3A_24 = arith.cmpi ne, %sign3A_16, %sign3A_23 : i32
    %rem3A_25 = arith.remsi %add3A, %jit3A_10 : i32
    %ne3A_26 = arith.constant 0 : i32
    %ne3A_27 = arith.cmpi ne, %rem3A_25, %ne3A_26 : i32
    %and3A_28 = arith.andi %ne3A_24, %ne3A_27 : i1
    %sub3A = arith.constant 1 : i32
    %sub3A_29 = arith.subi %div3A, %sub3A : i32
    %select_n3A_30 = arith.select %and3A_28, %sub3A_29, %div3A : i32
    %mul3A_31 = arith.constant 50 : i32
    %mul3A_32 = arith.muli %select_n3A_30, %mul3A_31 : i32
    %mul3A_33 = arith.constant 128 : i32
    %mul3A_34 = arith.muli %select_n3A_9, %mul3A_33 : i32
    "tpu.region"() ({
      %run_scoped3A = tpu.sem_alloc : memref<!tpu.dma_semaphore, #tpu.memory_space<semaphore_mem>>
      %dma_start3A_178 = tpu.memref_slice %arg2[%mul3A_32, %mul3A_34] : memref<200x1024xi32, #tpu.memory_space<hbm>> -> memref<50x128xi32, #tpu.memory_space<hbm>>
      %dma_start3A_179 = tpu.memref_slice %arg2[%mul3A_32, %mul3A_34] : memref<200x1024xi32, #tpu.memory_space<hbm>> -> memref<50x128xi32, #tpu.memory_space<hbm>>
      tpu.enqueue_dma source(%dma_start3A_179 : memref<50x128xi32, #tpu.memory_space<hbm>>) target(%arg6 : memref<50x128xi32, #tpu.memory_space<vmem>>) target_semaphore(%run_scoped3A : memref<!tpu.dma_semaphore, #tpu.memory_space<semaphore_mem>>)
      %dma_wait3A_180 = tpu.memref_slice %arg2[%mul3A_32, %mul3A_34] : memref<200x1024xi32, #tpu.memory_space<hbm>> -> memref<50x128xi32, #tpu.memory_space<hbm>>
      %dma_wait3A_181 = tpu.memref_slice %arg2[%mul3A_32, %mul3A_34] : memref<200x1024xi32, #tpu.memory_space<hbm>> -> memref<50x128xi32, #tpu.memory_space<hbm>>
      tpu.wait_dma2 semaphore(%run_scoped3A : memref<!tpu.dma_semaphore, #tpu.memory_space<semaphore_mem>>) src(%dma_wait3A_181 : memref<50x128xi32, #tpu.memory_space<hbm>>) dst(%arg6 : memref<50x128xi32, #tpu.memory_space<vmem>>)
      tpu.yield
    }) : () -> ()
    "tpu.region"() ({
      %run_scoped3A = tpu.sem_alloc : memref<!tpu.dma_semaphore, #tpu.memory_space<semaphore_mem>>
      %dma_start3A_178 = arith.constant 0 : i32
      %dma_start3A_179 = tpu.memref_slice %arg3[%mul3A_32, %dma_start3A_178] : memref<200x64xf32, #tpu.memory_space<hbm>> -> memref<50x64xf32, #tpu.memory_space<hbm>>
      %dma_start3A_180 = arith.constant 0 : i32
      %dma_start3A_181 = tpu.memref_slice %arg3[%mul3A_32, %dma_start3A_180] : memref<200x64xf32, #tpu.memory_space<hbm>> -> memref<50x64xf32, #tpu.memory_space<hbm>>
      tpu.enqueue_dma source(%dma_start3A_181 : memref<50x64xf32, #tpu.memory_space<hbm>>) target(%arg7 : memref<50x64xf32, #tpu.memory_space<vmem>>) target_semaphore(%run_scoped3A : memref<!tpu.dma_semaphore, #tpu.memory_space<semaphore_mem>>)
      %dma_wait3A_182 = arith.constant 0 : i32
      %dma_wait3A_183 = tpu.memref_slice %arg3[%mul3A_32, %dma_wait3A_182] : memref<200x64xf32, #tpu.memory_space<hbm>> -> memref<50x64xf32, #tpu.memory_space<hbm>>
      %dma_wait3A_184 = arith.constant 0 : i32
      %dma_wait3A_185 = tpu.memref_slice %arg3[%mul3A_32, %dma_wait3A_184] : memref<200x64xf32, #tpu.memory_space<hbm>> -> memref<50x64xf32, #tpu.memory_space<hbm>>
      tpu.wait_dma2 semaphore(%run_scoped3A : memref<!tpu.dma_semaphore, #tpu.memory_space<semaphore_mem>>) src(%dma_wait3A_185 : memref<50x64xf32, #tpu.memory_space<hbm>>) dst(%arg7 : memref<50x64xf32, #tpu.memory_space<vmem>>)
      tpu.yield
    }) : () -> ()
    %dma_start3A = arith.constant 0 : i32
    %dma_start3A_35 = arith.constant 0 : i32
    %dma_start3A_36 = arith.constant 0 : i32
    %dma_start3A_37 = arith.constant 0 : i32
    %dma_start3A_38 = tpu.memref_slice %arg8[%dma_start3A_35, %dma_start3A_36, %dma_start3A_37] : memref<5x128x64xf32, #tpu.memory_space<vmem>> -> memref<1x128x64xf32, #tpu.memory_space<vmem>>
    %dma_start3A_39 = tpu.memref_squeeze %dma_start3A_38 : memref<1x128x64xf32, #tpu.memory_space<vmem>> -> memref<128x64xf32, #tpu.memory_space<vmem>>
    %dma_start3A_40 = arith.constant 0 : i32
    %dma_start3A_41 = tpu.memref_slice %arg6[%dma_start3A, %dma_start3A_40] : memref<50x128xi32, #tpu.memory_space<vmem>> -> memref<1x128xi32, #tpu.memory_space<vmem>>
    %dma_start3A_42 = tpu.memref_squeeze %dma_start3A_41 : memref<1x128xi32, #tpu.memory_space<vmem>> -> memref<128xi32, #tpu.memory_space<vmem>>
    %dma_start3A_43 = arith.constant 0 : i32
    %dma_start3A_44 = arith.constant 0 : i32
    %dma_start3A_45 = tpu.memref_slice %arg4[%dma_start3A_43, %dma_start3A_44] : memref<1000000x64xf32, #tpu.memory_space<hbm>> -> memref<1000000x64xf32, #tpu.memory_space<hbm>>
    tpu.enqueue_indirect_dma source(%dma_start3A_45 : memref<1000000x64xf32, #tpu.memory_space<hbm>>) target(%dma_start3A_39 : memref<128x64xf32, #tpu.memory_space<vmem>>) offsets(%dma_start3A_42 : memref<128xi32, #tpu.memory_space<vmem>>) semaphore(%arg10 : memref<!tpu.dma_semaphore, #tpu.memory_space<semaphore_mem>>)
    %dma_start3A_46 = arith.constant 1 : i32
    %dma_start3A_47 = arith.constant 1 : i32
    %dma_start3A_48 = arith.constant 0 : i32
    %dma_start3A_49 = arith.constant 0 : i32
    %dma_start3A_50 = tpu.memref_slice %arg8[%dma_start3A_47, %dma_start3A_48, %dma_start3A_49] : memref<5x128x64xf32, #tpu.memory_space<vmem>> -> memref<1x128x64xf32, #tpu.memory_space<vmem>>
    %dma_start3A_51 = tpu.memref_squeeze %dma_start3A_50 : memref<1x128x64xf32, #tpu.memory_space<vmem>> -> memref<128x64xf32, #tpu.memory_space<vmem>>
    %dma_start3A_52 = arith.constant 0 : i32
    %dma_start3A_53 = tpu.memref_slice %arg6[%dma_start3A_46, %dma_start3A_52] : memref<50x128xi32, #tpu.memory_space<vmem>> -> memref<1x128xi32, #tpu.memory_space<vmem>>
    %dma_start3A_54 = tpu.memref_squeeze %dma_start3A_53 : memref<1x128xi32, #tpu.memory_space<vmem>> -> memref<128xi32, #tpu.memory_space<vmem>>
    %dma_start3A_55 = arith.constant 0 : i32
    %dma_start3A_56 = arith.constant 0 : i32
    %dma_start3A_57 = tpu.memref_slice %arg4[%dma_start3A_55, %dma_start3A_56] : memref<1000000x64xf32, #tpu.memory_space<hbm>> -> memref<1000000x64xf32, #tpu.memory_space<hbm>>
    tpu.enqueue_indirect_dma source(%dma_start3A_57 : memref<1000000x64xf32, #tpu.memory_space<hbm>>) target(%dma_start3A_51 : memref<128x64xf32, #tpu.memory_space<vmem>>) offsets(%dma_start3A_54 : memref<128xi32, #tpu.memory_space<vmem>>) semaphore(%arg10 : memref<!tpu.dma_semaphore, #tpu.memory_space<semaphore_mem>>)
    %dma_start3A_58 = arith.constant 2 : i32
    %dma_start3A_59 = arith.constant 2 : i32
    %dma_start3A_60 = arith.constant 0 : i32
    %dma_start3A_61 = arith.constant 0 : i32
    %dma_start3A_62 = tpu.memref_slice %arg8[%dma_start3A_59, %dma_start3A_60, %dma_start3A_61] : memref<5x128x64xf32, #tpu.memory_space<vmem>> -> memref<1x128x64xf32, #tpu.memory_space<vmem>>
    %dma_start3A_63 = tpu.memref_squeeze %dma_start3A_62 : memref<1x128x64xf32, #tpu.memory_space<vmem>> -> memref<128x64xf32, #tpu.memory_space<vmem>>
    %dma_start3A_64 = arith.constant 0 : i32
    %dma_start3A_65 = tpu.memref_slice %arg6[%dma_start3A_58, %dma_start3A_64] : memref<50x128xi32, #tpu.memory_space<vmem>> -> memref<1x128xi32, #tpu.memory_space<vmem>>
    %dma_start3A_66 = tpu.memref_squeeze %dma_start3A_65 : memref<1x128xi32, #tpu.memory_space<vmem>> -> memref<128xi32, #tpu.memory_space<vmem>>
    %dma_start3A_67 = arith.constant 0 : i32
    %dma_start3A_68 = arith.constant 0 : i32
    %dma_start3A_69 = tpu.memref_slice %arg4[%dma_start3A_67, %dma_start3A_68] : memref<1000000x64xf32, #tpu.memory_space<hbm>> -> memref<1000000x64xf32, #tpu.memory_space<hbm>>
    tpu.enqueue_indirect_dma source(%dma_start3A_69 : memref<1000000x64xf32, #tpu.memory_space<hbm>>) target(%dma_start3A_63 : memref<128x64xf32, #tpu.memory_space<vmem>>) offsets(%dma_start3A_66 : memref<128xi32, #tpu.memory_space<vmem>>) semaphore(%arg10 : memref<!tpu.dma_semaphore, #tpu.memory_space<semaphore_mem>>)
    %dma_start3A_70 = arith.constant 3 : i32
    %dma_start3A_71 = arith.constant 3 : i32
    %dma_start3A_72 = arith.constant 0 : i32
    %dma_start3A_73 = arith.constant 0 : i32
    %dma_start3A_74 = tpu.memref_slice %arg8[%dma_start3A_71, %dma_start3A_72, %dma_start3A_73] : memref<5x128x64xf32, #tpu.memory_space<vmem>> -> memref<1x128x64xf32, #tpu.memory_space<vmem>>
    %dma_start3A_75 = tpu.memref_squeeze %dma_start3A_74 : memref<1x128x64xf32, #tpu.memory_space<vmem>> -> memref<128x64xf32, #tpu.memory_space<vmem>>
    %dma_start3A_76 = arith.constant 0 : i32
    %dma_start3A_77 = tpu.memref_slice %arg6[%dma_start3A_70, %dma_start3A_76] : memref<50x128xi32, #tpu.memory_space<vmem>> -> memref<1x128xi32, #tpu.memory_space<vmem>>
    %dma_start3A_78 = tpu.memref_squeeze %dma_start3A_77 : memref<1x128xi32, #tpu.memory_space<vmem>> -> memref<128xi32, #tpu.memory_space<vmem>>
    %dma_start3A_79 = arith.constant 0 : i32
    %dma_start3A_80 = arith.constant 0 : i32
    %dma_start3A_81 = tpu.memref_slice %arg4[%dma_start3A_79, %dma_start3A_80] : memref<1000000x64xf32, #tpu.memory_space<hbm>> -> memref<1000000x64xf32, #tpu.memory_space<hbm>>
    tpu.enqueue_indirect_dma source(%dma_start3A_81 : memref<1000000x64xf32, #tpu.memory_space<hbm>>) target(%dma_start3A_75 : memref<128x64xf32, #tpu.memory_space<vmem>>) offsets(%dma_start3A_78 : memref<128xi32, #tpu.memory_space<vmem>>) semaphore(%arg10 : memref<!tpu.dma_semaphore, #tpu.memory_space<semaphore_mem>>)
    %dma_start3A_82 = arith.constant 4 : i32
    %dma_start3A_83 = arith.constant 4 : i32
    %dma_start3A_84 = arith.constant 0 : i32
    %dma_start3A_85 = arith.constant 0 : i32
    %dma_start3A_86 = tpu.memref_slice %arg8[%dma_start3A_83, %dma_start3A_84, %dma_start3A_85] : memref<5x128x64xf32, #tpu.memory_space<vmem>> -> memref<1x128x64xf32, #tpu.memory_space<vmem>>
    %dma_start3A_87 = tpu.memref_squeeze %dma_start3A_86 : memref<1x128x64xf32, #tpu.memory_space<vmem>> -> memref<128x64xf32, #tpu.memory_space<vmem>>
    %dma_start3A_88 = arith.constant 0 : i32
    %dma_start3A_89 = tpu.memref_slice %arg6[%dma_start3A_82, %dma_start3A_88] : memref<50x128xi32, #tpu.memory_space<vmem>> -> memref<1x128xi32, #tpu.memory_space<vmem>>
    %dma_start3A_90 = tpu.memref_squeeze %dma_start3A_89 : memref<1x128xi32, #tpu.memory_space<vmem>> -> memref<128xi32, #tpu.memory_space<vmem>>
    %dma_start3A_91 = arith.constant 0 : i32
    %dma_start3A_92 = arith.constant 0 : i32
    %dma_start3A_93 = tpu.memref_slice %arg4[%dma_start3A_91, %dma_start3A_92] : memref<1000000x64xf32, #tpu.memory_space<hbm>> -> memref<1000000x64xf32, #tpu.memory_space<hbm>>
    tpu.enqueue_indirect_dma source(%dma_start3A_93 : memref<1000000x64xf32, #tpu.memory_space<hbm>>) target(%dma_start3A_87 : memref<128x64xf32, #tpu.memory_space<vmem>>) offsets(%dma_start3A_90 : memref<128xi32, #tpu.memory_space<vmem>>) semaphore(%arg10 : memref<!tpu.dma_semaphore, #tpu.memory_space<semaphore_mem>>)
    %scan3A = arith.constant 0 : i32
    %scan3A_94 = arith.constant 0 : i32
    %scan3A_95 = arith.constant 10 : i32
    %scan3A_96 = arith.addi %scan3A_94, %scan3A_95 : i32
    %scan3A_97 = arith.constant 1 : i32
    scf.for %scan3A_178 = %scan3A_94 to %scan3A_96 step %scan3A_97  : i32 {
      %mul3A_179 = arith.constant 5 : i32
      %mul3A_180 = arith.muli %scan3A_178, %mul3A_179 : i32
      %add3A_181 = arith.constant 0 : i32
      %add3A_182 = arith.addi %mul3A_180, %add3A_181 : i32
      %dma_wait3A_183 = arith.constant 0 : i32
      %dma_wait3A_184 = arith.constant 0 : i32
      %dma_wait3A_185 = arith.constant 0 : i32
      %dma_wait3A_186 = tpu.memref_slice %arg8[%dma_wait3A_183, %dma_wait3A_184, %dma_wait3A_185] : memref<5x128x64xf32, #tpu.memory_space<vmem>> -> memref<1x128x64xf32, #tpu.memory_space<vmem>>
      %dma_wait3A_187 = tpu.memref_squeeze %dma_wait3A_186 : memref<1x128x64xf32, #tpu.memory_space<vmem>> -> memref<128x64xf32, #tpu.memory_space<vmem>>
      %dma_wait3A_188 = arith.constant 0 : i32
      %dma_wait3A_189 = tpu.memref_slice %arg6[%add3A_182, %dma_wait3A_188] : memref<50x128xi32, #tpu.memory_space<vmem>> -> memref<1x128xi32, #tpu.memory_space<vmem>>
      %dma_wait3A_190 = tpu.memref_squeeze %dma_wait3A_189 : memref<1x128xi32, #tpu.memory_space<vmem>> -> memref<128xi32, #tpu.memory_space<vmem>>
      %dma_wait3A_191 = arith.constant 0 : i32
      %dma_wait3A_192 = arith.constant 0 : i32
      %dma_wait3A_193 = tpu.memref_slice %arg4[%dma_wait3A_191, %dma_wait3A_192] : memref<1000000x64xf32, #tpu.memory_space<hbm>> -> memref<1000000x64xf32, #tpu.memory_space<hbm>>
      tpu.wait_indirect_dma semaphore(%arg10 : memref<!tpu.dma_semaphore, #tpu.memory_space<semaphore_mem>>) src(%dma_wait3A_193 : memref<1000000x64xf32, #tpu.memory_space<hbm>>) dst(%dma_wait3A_187 : memref<128x64xf32, #tpu.memory_space<vmem>>)
      %ge3A = arith.constant 5 : i32
      %ge3A_194 = arith.cmpi sge, %add3A_182, %ge3A : i32
      %convert_element_type3A = arith.extui %ge3A_194 : i1 to i32
      %cond3A = arith.constant 0 : i32
      %cond3A_195 = arith.constant 0 : i32
      %cond3A_196 = arith.cmpi ne, %convert_element_type3A, %cond3A_195 : i32
      scf.if %cond3A_196 {
        %dma_wait3A_710 = arith.constant 0 : i32
        %dma_wait3A_711 = arith.constant 0 : i32
        %dma_wait3A_712 = arith.constant 0 : i32
        %dma_wait3A_713 = tpu.memref_slice %arg9[%cond3A, %dma_wait3A_711, %dma_wait3A_712] : memref<5x128x64xf32, #tpu.memory_space<vmem>> -> memref<1x128x64xf32, #tpu.memory_space<vmem>>
        %dma_wait3A_714 = tpu.memref_squeeze %dma_wait3A_713 : memref<1x128x64xf32, #tpu.memory_space<vmem>> -> memref<128x64xf32, #tpu.memory_space<vmem>>
        %dma_wait3A_715 = arith.constant 0 : i32
        %dma_wait3A_716 = tpu.memref_slice %arg5[%mul3A_34, %dma_wait3A_710, %dma_wait3A_715] : memref<1024x100x128xf32, #tpu.memory_space<hbm>> -> memref<128x1x64xf32, #tpu.memory_space<hbm>>
        %dma_wait3A_717 = tpu.memref_squeeze %dma_wait3A_716 : memref<128x1x64xf32, #tpu.memory_space<hbm>> -> memref<128x64xf32, #tpu.memory_space<hbm>>
        %dma_wait3A_718 = arith.constant 0 : i32
        %dma_wait3A_719 = tpu.memref_slice %arg5[%mul3A_34, %dma_wait3A_710, %dma_wait3A_718] : memref<1024x100x128xf32, #tpu.memory_space<hbm>> -> memref<128x1x64xf32, #tpu.memory_space<hbm>>
        %dma_wait3A_720 = tpu.memref_squeeze %dma_wait3A_719 : memref<128x1x64xf32, #tpu.memory_space<hbm>> -> memref<128x64xf32, #tpu.memory_space<hbm>>
        %dma_wait3A_721 = arith.constant 0 : i32
        %dma_wait3A_722 = arith.constant 0 : i32
        %dma_wait3A_723 = tpu.memref_slice %arg9[%cond3A, %dma_wait3A_721, %dma_wait3A_722] : memref<5x128x64xf32, #tpu.memory_space<vmem>> -> memref<1x128x64xf32, #tpu.memory_space<vmem>>
        %dma_wait3A_724 = tpu.memref_squeeze %dma_wait3A_723 : memref<1x128x64xf32, #tpu.memory_space<vmem>> -> memref<128x64xf32, #tpu.memory_space<vmem>>
        tpu.wait_dma2 semaphore(%arg11 : memref<!tpu.dma_semaphore, #tpu.memory_space<semaphore_mem>>) src(%dma_wait3A_724 : memref<128x64xf32, #tpu.memory_space<vmem>>) dst(%dma_wait3A_720 : memref<128x64xf32, #tpu.memory_space<hbm>>)
      } else {
      }
      %get3A = arith.index_cast %add3A_182 : i32 to index
      %get3A_197 = arith.constant 0 : index
      %get3A_198 = tpu.vector_load %arg7[%get3A, %get3A_197] {strides = array<i32>} : memref<50x64xf32, #tpu.memory_space<vmem>>, vector<1x16xf32>,
      %get3A_199 = vector.shape_cast %get3A_198 : vector<1x16xf32> to vector<16xf32>
      %get3A_200 = arith.index_cast %add3A_182 : i32 to index
      %get3A_201 = arith.constant 16 : index
      %get3A_202 = tpu.vector_load %arg7[%get3A_200, %get3A_201] {strides = array<i32>} : memref<50x64xf32, #tpu.memory_space<vmem>>, vector<1x16xf32>,
      %get3A_203 = vector.shape_cast %get3A_202 : vector<1x16xf32> to vector<16xf32>
      %get3A_204 = arith.index_cast %add3A_182 : i32 to index
      %get3A_205 = arith.constant 32 : index
      %get3A_206 = tpu.vector_load %arg7[%get3A_204, %get3A_205] {strides = array<i32>} : memref<50x64xf32, #tpu.memory_space<vmem>>, vector<1x16xf32>,
      %get3A_207 = vector.shape_cast %get3A_206 : vector<1x16xf32> to vector<16xf32>
      %get3A_208 = arith.index_cast %add3A_182 : i32 to index
      %get3A_209 = arith.constant 48 : index
      %get3A_210 = tpu.vector_load %arg7[%get3A_208, %get3A_209] {strides = array<i32>} : memref<50x64xf32, #tpu.memory_space<vmem>>, vector<1x16xf32>,
      %get3A_211 = vector.shape_cast %get3A_210 : vector<1x16xf32> to vector<16xf32>
      %scan3A_212 = arith.constant 0 : i32
      %scan3A_213 = arith.constant 0 : i32
      %scan3A_214 = arith.constant 0 : i32
      %scan3A_215 = arith.constant 128 : i32
      %scan3A_216 = arith.addi %scan3A_214, %scan3A_215 : i32
      %scan3A_217 = arith.constant 1 : i32
      scf.for %scan3A_710 = %scan3A_214 to %scan3A_216 step %scan3A_217  : i32 {
        %get3A_711 = arith.constant 0 : i32
        %get3A_712 = arith.constant 0 : i32
        %get3A_713 = tpu.memref_slice %arg8[%scan3A_212, %get3A_711, %get3A_712] : memref<5x128x64xf32, #tpu.memory_space<vmem>> -> memref<1x128x64xf32, #tpu.memory_space<vmem>>
        %get3A_714 = tpu.memref_squeeze %get3A_713 : memref<1x128x64xf32, #tpu.memory_space<vmem>> -> memref<128x64xf32, #tpu.memory_space<vmem>>
        %get3A_715 = arith.index_cast %scan3A_710 : i32 to index
        %get3A_716 = arith.constant 0 : index
        %get3A_717 = tpu.vector_load %get3A_714[%get3A_715, %get3A_716] {strides = array<i32>} : memref<128x64xf32, #tpu.memory_space<vmem>>, vector<1x16xf32>,
        %get3A_718 = vector.shape_cast %get3A_717 : vector<1x16xf32> to vector<16xf32>
        %mul3A_719 = arith.constant 8.000000e+00 : f32
        %mul3A_720 = vector.broadcast %mul3A_719 : f32 to vector<16xf32>
        %mul3A_721 = arith.mulf %get3A_718, %mul3A_720 : vector<16xf32>
        %add3A_722 = arith.addf %mul3A_721, %get3A_199 : vector<16xf32>
        %swap3A = arith.constant 0 : i32
        %swap3A_723 = arith.constant 0 : i32
        %swap3A_724 = tpu.memref_slice %arg9[%scan3A_213, %swap3A, %swap3A_723] : memref<5x128x64xf32, #tpu.memory_space<vmem>> -> memref<1x128x64xf32, #tpu.memory_space<vmem>>
        %swap3A_725 = tpu.memref_squeeze %swap3A_724 : memref<1x128x64xf32, #tpu.memory_space<vmem>> -> memref<128x64xf32, #tpu.memory_space<vmem>>
        %swap3A_726 = arith.index_cast %scan3A_710 : i32 to index
        %swap3A_727 = arith.constant 0 : index
        %swap3A_728 = tpu.vector_load %swap3A_725[%swap3A_726, %swap3A_727] {strides = array<i32>} : memref<128x64xf32, #tpu.memory_space<vmem>>, vector<1x16xf32>,
        %swap3A_729 = vector.shape_cast %swap3A_728 : vector<1x16xf32> to vector<16xf32>
        %swap3A_730 = vector.shape_cast %add3A_722 : vector<16xf32> to vector<1x16xf32>
        tpu.vector_store %swap3A_725[%swap3A_726, %swap3A_727], %swap3A_730 {strides = array<i32>} : memref<128x64xf32, #tpu.memory_space<vmem>>, vector<1x16xf32>,
        %get3A_731 = arith.constant 0 : i32
        %get3A_732 = arith.constant 0 : i32
        %get3A_733 = tpu.memref_slice %arg8[%scan3A_212, %get3A_731, %get3A_732] : memref<5x128x64xf32, #tpu.memory_space<vmem>> -> memref<1x128x64xf32, #tpu.memory_space<vmem>>
        %get3A_734 = tpu.memref_squeeze %get3A_733 : memref<1x128x64xf32, #tpu.memory_space<vmem>> -> memref<128x64xf32, #tpu.memory_space<vmem>>
        %get3A_735 = arith.index_cast %scan3A_710 : i32 to index
        %get3A_736 = arith.constant 16 : index
        %get3A_737 = tpu.vector_load %get3A_734[%get3A_735, %get3A_736] {strides = array<i32>} : memref<128x64xf32, #tpu.memory_space<vmem>>, vector<1x16xf32>,
        %get3A_738 = vector.shape_cast %get3A_737 : vector<1x16xf32> to vector<16xf32>
        %mul3A_739 = arith.constant 8.000000e+00 : f32
        %mul3A_740 = vector.broadcast %mul3A_739 : f32 to vector<16xf32>
        %mul3A_741 = arith.mulf %get3A_738, %mul3A_740 : vector<16xf32>
        %add3A_742 = arith.addf %mul3A_741, %get3A_203 : vector<16xf32>
        %swap3A_743 = arith.constant 0 : i32
        %swap3A_744 = arith.constant 0 : i32
        %swap3A_745 = tpu.memref_slice %arg9[%scan3A_213, %swap3A_743, %swap3A_744] : memref<5x128x64xf32, #tpu.memory_space<vmem>> -> memref<1x128x64xf32, #tpu.memory_space<vmem>>
        %swap3A_746 = tpu.memref_squeeze %swap3A_745 : memref<1x128x64xf32, #tpu.memory_space<vmem>> -> memref<128x64xf32, #tpu.memory_space<vmem>>
        %swap3A_747 = arith.index_cast %scan3A_710 : i32 to index
        %swap3A_748 = arith.constant 16 : index
        %swap3A_749 = tpu.vector_load %swap3A_746[%swap3A_747, %swap3A_748] {strides = array<i32>} : memref<128x64xf32, #tpu.memory_space<vmem>>, vector<1x16xf32>,
        %swap3A_750 = vector.shape_cast %swap3A_749 : vector<1x16xf32> to vector<16xf32>
        %swap3A_751 = vector.shape_cast %add3A_742 : vector<16xf32> to vector<1x16xf32>
        tpu.vector_store %swap3A_746[%swap3A_747, %swap3A_748], %swap3A_751 {strides = array<i32>} : memref<128x64xf32, #tpu.memory_space<vmem>>, vector<1x16xf32>,
        %get3A_752 = arith.constant 0 : i32
        %get3A_753 = arith.constant 0 : i32
        %get3A_754 = tpu.memref_slice %arg8[%scan3A_212, %get3A_752, %get3A_753] : memref<5x128x64xf32, #tpu.memory_space<vmem>> -> memref<1x128x64xf32, #tpu.memory_space<vmem>>
        %get3A_755 = tpu.memref_squeeze %get3A_754 : memref<1x128x64xf32, #tpu.memory_space<vmem>> -> memref<128x64xf32, #tpu.memory_space<vmem>>
        %get3A_756 = arith.index_cast %scan3A_710 : i32 to index
        %get3A_757 = arith.constant 32 : index
        %get3A_758 = tpu.vector_load %get3A_755[%get3A_756, %get3A_757] {strides = array<i32>} : memref<128x64xf32, #tpu.memory_space<vmem>>, vector<1x16xf32>,
        %get3A_759 = vector.shape_cast %get3A_758 : vector<1x16xf32> to vector<16xf32>
        %mul3A_760 = arith.constant 8.000000e+00 : f32
        %mul3A_761 = vector.broadcast %mul3A_760 : f32 to vector<16xf32>
        %mul3A_762 = arith.mulf %get3A_759, %mul3A_761 : vector<16xf32>
        %add3A_763 = arith.addf %mul3A_762, %get3A_207 : vector<16xf32>
        %swap3A_764 = arith.constant 0 : i32
        %swap3A_765 = arith.constant 0 : i32
        %swap3A_766 = tpu.memref_slice %arg9[%scan3A_213, %swap3A_764, %swap3A_765] : memref<5x128x64xf32, #tpu.memory_space<vmem>> -> memref<1x128x64xf32, #tpu.memory_space<vmem>>
        %swap3A_767 = tpu.memref_squeeze %swap3A_766 : memref<1x128x64xf32, #tpu.memory_space<vmem>> -> memref<128x64xf32, #tpu.memory_space<vmem>>
        %swap3A_768 = arith.index_cast %scan3A_710 : i32 to index
        %swap3A_769 = arith.constant 32 : index
        %swap3A_770 = tpu.vector_load %swap3A_767[%swap3A_768, %swap3A_769] {strides = array<i32>} : memref<128x64xf32, #tpu.memory_space<vmem>>, vector<1x16xf32>,
        %swap3A_771 = vector.shape_cast %swap3A_770 : vector<1x16xf32> to vector<16xf32>
        %swap3A_772 = vector.shape_cast %add3A_763 : vector<16xf32> to vector<1x16xf32>
        tpu.vector_store %swap3A_767[%swap3A_768, %swap3A_769], %swap3A_772 {strides = array<i32>} : memref<128x64xf32, #tpu.memory_space<vmem>>, vector<1x16xf32>,
        %get3A_773 = arith.constant 0 : i32
        %get3A_774 = arith.constant 0 : i32
        %get3A_775 = tpu.memref_slice %arg8[%scan3A_212, %get3A_773, %get3A_774] : memref<5x128x64xf32, #tpu.memory_space<vmem>> -> memref<1x128x64xf32, #tpu.memory_space<vmem>>
        %get3A_776 = tpu.memref_squeeze %get3A_775 : memref<1x128x64xf32, #tpu.memory_space<vmem>> -> memref<128x64xf32, #tpu.memory_space<vmem>>
        %get3A_777 = arith.index_cast %scan3A_710 : i32 to index
        %get3A_778 = arith.constant 48 : index
        %get3A_779 = tpu.vector_load %get3A_776[%get3A_777, %get3A_778] {strides = array<i32>} : memref<128x64xf32, #tpu.memory_space<vmem>>, vector<1x16xf32>,
        %get3A_780 = vector.shape_cast %get3A_779 : vector<1x16xf32> to vector<16xf32>
        %mul3A_781 = arith.constant 8.000000e+00 : f32
        %mul3A_782 = vector.broadcast %mul3A_781 : f32 to vector<16xf32>
        %mul3A_783 = arith.mulf %get3A_780, %mul3A_782 : vector<16xf32>
        %add3A_784 = arith.addf %mul3A_783, %get3A_211 : vector<16xf32>
        %swap3A_785 = arith.constant 0 : i32
        %swap3A_786 = arith.constant 0 : i32
        %swap3A_787 = tpu.memref_slice %arg9[%scan3A_213, %swap3A_785, %swap3A_786] : memref<5x128x64xf32, #tpu.memory_space<vmem>> -> memref<1x128x64xf32, #tpu.memory_space<vmem>>
        %swap3A_788 = tpu.memref_squeeze %swap3A_787 : memref<1x128x64xf32, #tpu.memory_space<vmem>> -> memref<128x64xf32, #tpu.memory_space<vmem>>
        %swap3A_789 = arith.index_cast %scan3A_710 : i32 to index
        %swap3A_790 = arith.constant 48 : index
        %swap3A_791 = tpu.vector_load %swap3A_788[%swap3A_789, %swap3A_790] {strides = array<i32>} : memref<128x64xf32, #tpu.memory_space<vmem>>, vector<1x16xf32>,
        %swap3A_792 = vector.shape_cast %swap3A_791 : vector<1x16xf32> to vector<16xf32>
        %swap3A_793 = vector.shape_cast %add3A_784 : vector<16xf32> to vector<1x16xf32>
        tpu.vector_store %swap3A_788[%swap3A_789, %swap3A_790], %swap3A_793 {strides = array<i32>} : memref<128x64xf32, #tpu.memory_space<vmem>>, vector<1x16xf32>,
      }
      %scan3A_218 = arith.constant 128 : i32
      %add3A_219 = arith.addi %mul3A_32, %add3A_182 : i32
      %jit3A_220 = arith.constant 2 : i32
      %div3A_221 = arith.divsi %add3A_219, %jit3A_220 : i32
      %sign3A_222 = arith.constant 0 : i32
      %sign3A_223 = arith.cmpi sgt, %add3A_219, %sign3A_222 : i32
      %sign3A_224 = arith.extui %sign3A_223 : i1 to i32
      %sign3A_225 = arith.constant 0 : i32
      %sign3A_226 = arith.cmpi slt, %add3A_219, %sign3A_225 : i32
      %sign3A_227 = arith.extui %sign3A_226 : i1 to i32
      %sign3A_228 = arith.subi %sign3A_224, %sign3A_227 : i32
      %sign3A_229 = arith.constant 0 : i32
      %sign3A_230 = arith.cmpi sgt, %jit3A_220, %sign3A_229 : i32
      %sign3A_231 = arith.extui %sign3A_230 : i1 to i32
      %sign3A_232 = arith.constant 0 : i32
      %sign3A_233 = arith.cmpi slt, %jit3A_220, %sign3A_232 : i32
      %sign3A_234 = arith.extui %sign3A_233 : i1 to i32
      %sign3A_235 = arith.subi %sign3A_231, %sign3A_234 : i32
      %ne3A_236 = arith.cmpi ne, %sign3A_228, %sign3A_235 : i32
      %rem3A_237 = arith.remsi %add3A_219, %jit3A_220 : i32
      %ne3A_238 = arith.constant 0 : i32
      %ne3A_239 = arith.cmpi ne, %rem3A_237, %ne3A_238 : i32
      %and3A_240 = arith.andi %ne3A_236, %ne3A_239 : i1
      %sub3A_241 = arith.constant 1 : i32
      %sub3A_242 = arith.subi %div3A_221, %sub3A_241 : i32
      %select_n3A_243 = arith.select %and3A_240, %sub3A_242, %div3A_221 : i32
      %jit3A_244 = arith.constant 2 : i32
      %eq3A_245 = arith.constant 0 : i32
      %eq3A_246 = arith.cmpi eq, %jit3A_244, %eq3A_245 : i32
      %jit3A_247 = arith.constant 1 : i32
      %select_n3A_248 = arith.select %eq3A_246, %jit3A_247, %jit3A_244 : i32
      %rem3A_249 = arith.remsi %add3A_219, %select_n3A_248 : i32
      %ne3A_250 = arith.constant 0 : i32
      %ne3A_251 = arith.cmpi ne, %rem3A_249, %ne3A_250 : i32
      %lt3A_252 = arith.constant 0 : i32
      %lt3A_253 = arith.cmpi slt, %rem3A_249, %lt3A_252 : i32
      %lt3A_254 = arith.constant 0 : i32
      %lt3A_255 = arith.cmpi slt, %select_n3A_248, %lt3A_254 : i32
      %ne3A_256 = arith.xori %lt3A_253, %lt3A_255 : i1
      %and3A_257 = arith.andi %ne3A_256, %ne3A_251 : i1
      %add3A_258 = arith.addi %rem3A_249, %select_n3A_248 : i32
      %select_n3A_259 = arith.select %and3A_257, %add3A_258, %rem3A_249 : i32
      %mul3A_260 = arith.constant 64 : i32
      %mul3A_261 = arith.muli %select_n3A_259, %mul3A_260 : i32
      %dma_start3A_262 = arith.constant 0 : i32
      %dma_start3A_263 = arith.constant 0 : i32
      %dma_start3A_264 = arith.constant 0 : i32
      %dma_start3A_265 = tpu.memref_slice %arg9[%dma_start3A_262, %dma_start3A_263, %dma_start3A_264] : memref<5x128x64xf32, #tpu.memory_space<vmem>> -> memref<1x128x64xf32, #tpu.memory_space<vmem>>
      %dma_start3A_266 = tpu.memref_squeeze %dma_start3A_265 : memref<1x128x64xf32, #tpu.memory_space<vmem>> -> memref<128x64xf32, #tpu.memory_space<vmem>>
      %dma_start3A_267 = tpu.memref_slice %arg5[%mul3A_34, %select_n3A_243, %mul3A_261] : memref<1024x100x128xf32, #tpu.memory_space<hbm>> -> memref<128x1x64xf32, #tpu.memory_space<hbm>>
      %dma_start3A_268 = tpu.memref_squeeze %dma_start3A_267 : memref<128x1x64xf32, #tpu.memory_space<hbm>> -> memref<128x64xf32, #tpu.memory_space<hbm>>
      %dma_start3A_269 = tpu.memref_slice %arg5[%mul3A_34, %select_n3A_243, %mul3A_261] : memref<1024x100x128xf32, #tpu.memory_space<hbm>> -> memref<128x1x64xf32, #tpu.memory_space<hbm>>
      %dma_start3A_270 = tpu.memref_squeeze %dma_start3A_269 : memref<128x1x64xf32, #tpu.memory_space<hbm>> -> memref<128x64xf32, #tpu.memory_space<hbm>>
      %dma_start3A_271 = arith.constant 0 : i32
      %dma_start3A_272 = arith.constant 0 : i32
      %dma_start3A_273 = tpu.memref_slice %arg9[%dma_start3A_262, %dma_start3A_271, %dma_start3A_272] : memref<5x128x64xf32, #tpu.memory_space<vmem>> -> memref<1x128x64xf32, #tpu.memory_space<vmem>>
      %dma_start3A_274 = tpu.memref_squeeze %dma_start3A_273 : memref<1x128x64xf32, #tpu.memory_space<vmem>> -> memref<128x64xf32, #tpu.memory_space<vmem>>
      tpu.enqueue_dma source(%dma_start3A_274 : memref<128x64xf32, #tpu.memory_space<vmem>>) target(%dma_start3A_270 : memref<128x64xf32, #tpu.memory_space<hbm>>) target_semaphore(%arg11 : memref<!tpu.dma_semaphore, #tpu.memory_space<semaphore_mem>>)
      %add3A_275 = arith.constant 5 : i32
      %add3A_276 = arith.addi %add3A_182, %add3A_275 : i32
      %lt3A_277 = arith.constant 50 : i32
      %lt3A_278 = arith.cmpi slt, %add3A_276, %lt3A_277 : i32
      %convert_element_type3A_279 = arith.extui %lt3A_278 : i1 to i32
      %cond3A_280 = arith.constant 0 : i32
      %cond3A_281 = arith.cmpi ne, %convert_element_type3A_279, %cond3A_280 : i32
      scf.if %cond3A_281 {
        %add3A_710 = arith.constant 5 : i32
        %add3A_711 = arith.addi %add3A_182, %add3A_710 : i32
        %dma_start3A_712 = arith.constant 0 : i32
        %dma_start3A_713 = arith.constant 0 : i32
        %dma_start3A_714 = arith.constant 0 : i32
        %dma_start3A_715 = tpu.memref_slice %arg8[%dma_start3A_712, %dma_start3A_713, %dma_start3A_714] : memref<5x128x64xf32, #tpu.memory_space<vmem>> -> memref<1x128x64xf32, #tpu.memory_space<vmem>>
        %dma_start3A_716 = tpu.memref_squeeze %dma_start3A_715 : memref<1x128x64xf32, #tpu.memory_space<vmem>> -> memref<128x64xf32, #tpu.memory_space<vmem>>
        %dma_start3A_717 = arith.constant 0 : i32
        %dma_start3A_718 = tpu.memref_slice %arg6[%add3A_711, %dma_start3A_717] : memref<50x128xi32, #tpu.memory_space<vmem>> -> memref<1x128xi32, #tpu.memory_space<vmem>>
        %dma_start3A_719 = tpu.memref_squeeze %dma_start3A_718 : memref<1x128xi32, #tpu.memory_space<vmem>> -> memref<128xi32, #tpu.memory_space<vmem>>
        %dma_start3A_720 = arith.constant 0 : i32
        %dma_start3A_721 = arith.constant 0 : i32
        %dma_start3A_722 = tpu.memref_slice %arg4[%dma_start3A_720, %dma_start3A_721] : memref<1000000x64xf32, #tpu.memory_space<hbm>> -> memref<1000000x64xf32, #tpu.memory_space<hbm>>
        tpu.enqueue_indirect_dma source(%dma_start3A_722 : memref<1000000x64xf32, #tpu.memory_space<hbm>>) target(%dma_start3A_716 : memref<128x64xf32, #tpu.memory_space<vmem>>) offsets(%dma_start3A_719 : memref<128xi32, #tpu.memory_space<vmem>>) semaphore(%arg10 : memref<!tpu.dma_semaphore, #tpu.memory_space<semaphore_mem>>)
      } else {
      }
      %mul3A_282 = arith.constant 5 : i32
      %mul3A_283 = arith.muli %scan3A_178, %mul3A_282 : i32
      %add3A_284 = arith.constant 1 : i32
      %add3A_285 = arith.addi %mul3A_283, %add3A_284 : i32
      %dma_wait3A_286 = arith.constant 1 : i32
      %dma_wait3A_287 = arith.constant 0 : i32
      %dma_wait3A_288 = arith.constant 0 : i32
      %dma_wait3A_289 = tpu.memref_slice %arg8[%dma_wait3A_286, %dma_wait3A_287, %dma_wait3A_288] : memref<5x128x64xf32, #tpu.memory_space<vmem>> -> memref<1x128x64xf32, #tpu.memory_space<vmem>>
      %dma_wait3A_290 = tpu.memref_squeeze %dma_wait3A_289 : memref<1x128x64xf32, #tpu.memory_space<vmem>> -> memref<128x64xf32, #tpu.memory_space<vmem>>
      %dma_wait3A_291 = arith.constant 0 : i32
      %dma_wait3A_292 = tpu.memref_slice %arg6[%add3A_285, %dma_wait3A_291] : memref<50x128xi32, #tpu.memory_space<vmem>> -> memref<1x128xi32, #tpu.memory_space<vmem>>
      %dma_wait3A_293 = tpu.memref_squeeze %dma_wait3A_292 : memref<1x128xi32, #tpu.memory_space<vmem>> -> memref<128xi32, #tpu.memory_space<vmem>>
      %dma_wait3A_294 = arith.constant 0 : i32
      %dma_wait3A_295 = arith.constant 0 : i32
      %dma_wait3A_296 = tpu.memref_slice %arg4[%dma_wait3A_294, %dma_wait3A_295] : memref<1000000x64xf32, #tpu.memory_space<hbm>> -> memref<1000000x64xf32, #tpu.memory_space<hbm>>
      tpu.wait_indirect_dma semaphore(%arg10 : memref<!tpu.dma_semaphore, #tpu.memory_space<semaphore_mem>>) src(%dma_wait3A_296 : memref<1000000x64xf32, #tpu.memory_space<hbm>>) dst(%dma_wait3A_290 : memref<128x64xf32, #tpu.memory_space<vmem>>)
      %ge3A_297 = arith.constant 5 : i32
      %ge3A_298 = arith.cmpi sge, %add3A_285, %ge3A_297 : i32
      %convert_element_type3A_299 = arith.extui %ge3A_298 : i1 to i32
      %cond3A_300 = arith.constant 1 : i32
      %cond3A_301 = arith.constant 0 : i32
      %cond3A_302 = arith.cmpi ne, %convert_element_type3A_299, %cond3A_301 : i32
      scf.if %cond3A_302 {
        %dma_wait3A_710 = arith.constant 0 : i32
        %dma_wait3A_711 = arith.constant 0 : i32
        %dma_wait3A_712 = arith.constant 0 : i32
        %dma_wait3A_713 = tpu.memref_slice %arg9[%cond3A_300, %dma_wait3A_711, %dma_wait3A_712] : memref<5x128x64xf32, #tpu.memory_space<vmem>> -> memref<1x128x64xf32, #tpu.memory_space<vmem>>
        %dma_wait3A_714 = tpu.memref_squeeze %dma_wait3A_713 : memref<1x128x64xf32, #tpu.memory_space<vmem>> -> memref<128x64xf32, #tpu.memory_space<vmem>>
        %dma_wait3A_715 = arith.constant 0 : i32
        %dma_wait3A_716 = tpu.memref_slice %arg5[%mul3A_34, %dma_wait3A_710, %dma_wait3A_715] : memref<1024x100x128xf32, #tpu.memory_space<hbm>> -> memref<128x1x64xf32, #tpu.memory_space<hbm>>
        %dma_wait3A_717 = tpu.memref_squeeze %dma_wait3A_716 : memref<128x1x64xf32, #tpu.memory_space<hbm>> -> memref<128x64xf32, #tpu.memory_space<hbm>>
        %dma_wait3A_718 = arith.constant 0 : i32
        %dma_wait3A_719 = tpu.memref_slice %arg5[%mul3A_34, %dma_wait3A_710, %dma_wait3A_718] : memref<1024x100x128xf32, #tpu.memory_space<hbm>> -> memref<128x1x64xf32, #tpu.memory_space<hbm>>
        %dma_wait3A_720 = tpu.memref_squeeze %dma_wait3A_719 : memref<128x1x64xf32, #tpu.memory_space<hbm>> -> memref<128x64xf32, #tpu.memory_space<hbm>>
        %dma_wait3A_721 = arith.constant 0 : i32
        %dma_wait3A_722 = arith.constant 0 : i32
        %dma_wait3A_723 = tpu.memref_slice %arg9[%cond3A_300, %dma_wait3A_721, %dma_wait3A_722] : memref<5x128x64xf32, #tpu.memory_space<vmem>> -> memref<1x128x64xf32, #tpu.memory_space<vmem>>
        %dma_wait3A_724 = tpu.memref_squeeze %dma_wait3A_723 : memref<1x128x64xf32, #tpu.memory_space<vmem>> -> memref<128x64xf32, #tpu.memory_space<vmem>>
        tpu.wait_dma2 semaphore(%arg11 : memref<!tpu.dma_semaphore, #tpu.memory_space<semaphore_mem>>) src(%dma_wait3A_724 : memref<128x64xf32, #tpu.memory_space<vmem>>) dst(%dma_wait3A_720 : memref<128x64xf32, #tpu.memory_space<hbm>>)
      } else {
      }
      %get3A_303 = arith.index_cast %add3A_285 : i32 to index
      %get3A_304 = arith.constant 0 : index
      %get3A_305 = tpu.vector_load %arg7[%get3A_303, %get3A_304] {strides = array<i32>} : memref<50x64xf32, #tpu.memory_space<vmem>>, vector<1x16xf32>,
      %get3A_306 = vector.shape_cast %get3A_305 : vector<1x16xf32> to vector<16xf32>
      %get3A_307 = arith.index_cast %add3A_285 : i32 to index
      %get3A_308 = arith.constant 16 : index
      %get3A_309 = tpu.vector_load %arg7[%get3A_307, %get3A_308] {strides = array<i32>} : memref<50x64xf32, #tpu.memory_space<vmem>>, vector<1x16xf32>,
      %get3A_310 = vector.shape_cast %get3A_309 : vector<1x16xf32> to vector<16xf32>
      %get3A_311 = arith.index_cast %add3A_285 : i32 to index
      %get3A_312 = arith.constant 32 : index
      %get3A_313 = tpu.vector_load %arg7[%get3A_311, %get3A_312] {strides = array<i32>} : memref<50x64xf32, #tpu.memory_space<vmem>>, vector<1x16xf32>,
      %get3A_314 = vector.shape_cast %get3A_313 : vector<1x16xf32> to vector<16xf32>
      %get3A_315 = arith.index_cast %add3A_285 : i32 to index
      %get3A_316 = arith.constant 48 : index
      %get3A_317 = tpu.vector_load %arg7[%get3A_315, %get3A_316] {strides = array<i32>} : memref<50x64xf32, #tpu.memory_space<vmem>>, vector<1x16xf32>,
      %get3A_318 = vector.shape_cast %get3A_317 : vector<1x16xf32> to vector<16xf32>
      %scan3A_319 = arith.constant 1 : i32
      %scan3A_320 = arith.constant 1 : i32
      %scan3A_321 = arith.constant 0 : i32
      %scan3A_322 = arith.constant 128 : i32
      %scan3A_323 = arith.addi %scan3A_321, %scan3A_322 : i32
      %scan3A_324 = arith.constant 1 : i32
      scf.for %scan3A_710 = %scan3A_321 to %scan3A_323 step %scan3A_324  : i32 {
        %get3A_711 = arith.constant 0 : i32
        %get3A_712 = arith.constant 0 : i32
        %get3A_713 = tpu.memref_slice %arg8[%scan3A_319, %get3A_711, %get3A_712] : memref<5x128x64xf32, #tpu.memory_space<vmem>> -> memref<1x128x64xf32, #tpu.memory_space<vmem>>
        %get3A_714 = tpu.memref_squeeze %get3A_713 : memref<1x128x64xf32, #tpu.memory_space<vmem>> -> memref<128x64xf32, #tpu.memory_space<vmem>>
        %get3A_715 = arith.index_cast %scan3A_710 : i32 to index
        %get3A_716 = arith.constant 0 : index
        %get3A_717 = tpu.vector_load %get3A_714[%get3A_715, %get3A_716] {strides = array<i32>} : memref<128x64xf32, #tpu.memory_space<vmem>>, vector<1x16xf32>,
        %get3A_718 = vector.shape_cast %get3A_717 : vector<1x16xf32> to vector<16xf32>
        %mul3A_719 = arith.constant 8.000000e+00 : f32
        %mul3A_720 = vector.broadcast %mul3A_719 : f32 to vector<16xf32>
        %mul3A_721 = arith.mulf %get3A_718, %mul3A_720 : vector<16xf32>
        %add3A_722 = arith.addf %mul3A_721, %get3A_306 : vector<16xf32>
        %swap3A = arith.constant 0 : i32
        %swap3A_723 = arith.constant 0 : i32
        %swap3A_724 = tpu.memref_slice %arg9[%scan3A_320, %swap3A, %swap3A_723] : memref<5x128x64xf32, #tpu.memory_space<vmem>> -> memref<1x128x64xf32, #tpu.memory_space<vmem>>
        %swap3A_725 = tpu.memref_squeeze %swap3A_724 : memref<1x128x64xf32, #tpu.memory_space<vmem>> -> memref<128x64xf32, #tpu.memory_space<vmem>>
        %swap3A_726 = arith.index_cast %scan3A_710 : i32 to index
        %swap3A_727 = arith.constant 0 : index
        %swap3A_728 = tpu.vector_load %swap3A_725[%swap3A_726, %swap3A_727] {strides = array<i32>} : memref<128x64xf32, #tpu.memory_space<vmem>>, vector<1x16xf32>,
        %swap3A_729 = vector.shape_cast %swap3A_728 : vector<1x16xf32> to vector<16xf32>
        %swap3A_730 = vector.shape_cast %add3A_722 : vector<16xf32> to vector<1x16xf32>
        tpu.vector_store %swap3A_725[%swap3A_726, %swap3A_727], %swap3A_730 {strides = array<i32>} : memref<128x64xf32, #tpu.memory_space<vmem>>, vector<1x16xf32>,
        %get3A_731 = arith.constant 0 : i32
        %get3A_732 = arith.constant 0 : i32
        %get3A_733 = tpu.memref_slice %arg8[%scan3A_319, %get3A_731, %get3A_732] : memref<5x128x64xf32, #tpu.memory_space<vmem>> -> memref<1x128x64xf32, #tpu.memory_space<vmem>>
        %get3A_734 = tpu.memref_squeeze %get3A_733 : memref<1x128x64xf32, #tpu.memory_space<vmem>> -> memref<128x64xf32, #tpu.memory_space<vmem>>
        %get3A_735 = arith.index_cast %scan3A_710 : i32 to index
        %get3A_736 = arith.constant 16 : index
        %get3A_737 = tpu.vector_load %get3A_734[%get3A_735, %get3A_736] {strides = array<i32>} : memref<128x64xf32, #tpu.memory_space<vmem>>, vector<1x16xf32>,
        %get3A_738 = vector.shape_cast %get3A_737 : vector<1x16xf32> to vector<16xf32>
        %mul3A_739 = arith.constant 8.000000e+00 : f32
        %mul3A_740 = vector.broadcast %mul3A_739 : f32 to vector<16xf32>
        %mul3A_741 = arith.mulf %get3A_738, %mul3A_740 : vector<16xf32>
        %add3A_742 = arith.addf %mul3A_741, %get3A_310 : vector<16xf32>
        %swap3A_743 = arith.constant 0 : i32
        %swap3A_744 = arith.constant 0 : i32
        %swap3A_745 = tpu.memref_slice %arg9[%scan3A_320, %swap3A_743, %swap3A_744] : memref<5x128x64xf32, #tpu.memory_space<vmem>> -> memref<1x128x64xf32, #tpu.memory_space<vmem>>
        %swap3A_746 = tpu.memref_squeeze %swap3A_745 : memref<1x128x64xf32, #tpu.memory_space<vmem>> -> memref<128x64xf32, #tpu.memory_space<vmem>>
        %swap3A_747 = arith.index_cast %scan3A_710 : i32 to index
        %swap3A_748 = arith.constant 16 : index
        %swap3A_749 = tpu.vector_load %swap3A_746[%swap3A_747, %swap3A_748] {strides = array<i32>} : memref<128x64xf32, #tpu.memory_space<vmem>>, vector<1x16xf32>,
        %swap3A_750 = vector.shape_cast %swap3A_749 : vector<1x16xf32> to vector<16xf32>
        %swap3A_751 = vector.shape_cast %add3A_742 : vector<16xf32> to vector<1x16xf32>
        tpu.vector_store %swap3A_746[%swap3A_747, %swap3A_748], %swap3A_751 {strides = array<i32>} : memref<128x64xf32, #tpu.memory_space<vmem>>, vector<1x16xf32>,
        %get3A_752 = arith.constant 0 : i32
        %get3A_753 = arith.constant 0 : i32
        %get3A_754 = tpu.memref_slice %arg8[%scan3A_319, %get3A_752, %get3A_753] : memref<5x128x64xf32, #tpu.memory_space<vmem>> -> memref<1x128x64xf32, #tpu.memory_space<vmem>>
        %get3A_755 = tpu.memref_squeeze %get3A_754 : memref<1x128x64xf32, #tpu.memory_space<vmem>> -> memref<128x64xf32, #tpu.memory_space<vmem>>
        %get3A_756 = arith.index_cast %scan3A_710 : i32 to index
        %get3A_757 = arith.constant 32 : index
        %get3A_758 = tpu.vector_load %get3A_755[%get3A_756, %get3A_757] {strides = array<i32>} : memref<128x64xf32, #tpu.memory_space<vmem>>, vector<1x16xf32>,
        %get3A_759 = vector.shape_cast %get3A_758 : vector<1x16xf32> to vector<16xf32>
        %mul3A_760 = arith.constant 8.000000e+00 : f32
        %mul3A_761 = vector.broadcast %mul3A_760 : f32 to vector<16xf32>
        %mul3A_762 = arith.mulf %get3A_759, %mul3A_761 : vector<16xf32>
        %add3A_763 = arith.addf %mul3A_762, %get3A_314 : vector<16xf32>
        %swap3A_764 = arith.constant 0 : i32
        %swap3A_765 = arith.constant 0 : i32
        %swap3A_766 = tpu.memref_slice %arg9[%scan3A_320, %swap3A_764, %swap3A_765] : memref<5x128x64xf32, #tpu.memory_space<vmem>> -> memref<1x128x64xf32, #tpu.memory_space<vmem>>
        %swap3A_767 = tpu.memref_squeeze %swap3A_766 : memref<1x128x64xf32, #tpu.memory_space<vmem>> -> memref<128x64xf32, #tpu.memory_space<vmem>>
        %swap3A_768 = arith.index_cast %scan3A_710 : i32 to index
        %swap3A_769 = arith.constant 32 : index
        %swap3A_770 = tpu.vector_load %swap3A_767[%swap3A_768, %swap3A_769] {strides = array<i32>} : memref<128x64xf32, #tpu.memory_space<vmem>>, vector<1x16xf32>,
        %swap3A_771 = vector.shape_cast %swap3A_770 : vector<1x16xf32> to vector<16xf32>
        %swap3A_772 = vector.shape_cast %add3A_763 : vector<16xf32> to vector<1x16xf32>
        tpu.vector_store %swap3A_767[%swap3A_768, %swap3A_769], %swap3A_772 {strides = array<i32>} : memref<128x64xf32, #tpu.memory_space<vmem>>, vector<1x16xf32>,
        %get3A_773 = arith.constant 0 : i32
        %get3A_774 = arith.constant 0 : i32
        %get3A_775 = tpu.memref_slice %arg8[%scan3A_319, %get3A_773, %get3A_774] : memref<5x128x64xf32, #tpu.memory_space<vmem>> -> memref<1x128x64xf32, #tpu.memory_space<vmem>>
        %get3A_776 = tpu.memref_squeeze %get3A_775 : memref<1x128x64xf32, #tpu.memory_space<vmem>> -> memref<128x64xf32, #tpu.memory_space<vmem>>
        %get3A_777 = arith.index_cast %scan3A_710 : i32 to index
        %get3A_778 = arith.constant 48 : index
        %get3A_779 = tpu.vector_load %get3A_776[%get3A_777, %get3A_778] {strides = array<i32>} : memref<128x64xf32, #tpu.memory_space<vmem>>, vector<1x16xf32>,
        %get3A_780 = vector.shape_cast %get3A_779 : vector<1x16xf32> to vector<16xf32>
        %mul3A_781 = arith.constant 8.000000e+00 : f32
        %mul3A_782 = vector.broadcast %mul3A_781 : f32 to vector<16xf32>
        %mul3A_783 = arith.mulf %get3A_780, %mul3A_782 : vector<16xf32>
        %add3A_784 = arith.addf %mul3A_783, %get3A_318 : vector<16xf32>
        %swap3A_785 = arith.constant 0 : i32
        %swap3A_786 = arith.constant 0 : i32
        %swap3A_787 = tpu.memref_slice %arg9[%scan3A_320, %swap3A_785, %swap3A_786] : memref<5x128x64xf32, #tpu.memory_space<vmem>> -> memref<1x128x64xf32, #tpu.memory_space<vmem>>
        %swap3A_788 = tpu.memref_squeeze %swap3A_787 : memref<1x128x64xf32, #tpu.memory_space<vmem>> -> memref<128x64xf32, #tpu.memory_space<vmem>>
        %swap3A_789 = arith.index_cast %scan3A_710 : i32 to index
        %swap3A_790 = arith.constant 48 : index
        %swap3A_791 = tpu.vector_load %swap3A_788[%swap3A_789, %swap3A_790] {strides = array<i32>} : memref<128x64xf32, #tpu.memory_space<vmem>>, vector<1x16xf32>,
        %swap3A_792 = vector.shape_cast %swap3A_791 : vector<1x16xf32> to vector<16xf32>
        %swap3A_793 = vector.shape_cast %add3A_784 : vector<16xf32> to vector<1x16xf32>
        tpu.vector_store %swap3A_788[%swap3A_789, %swap3A_790], %swap3A_793 {strides = array<i32>} : memref<128x64xf32, #tpu.memory_space<vmem>>, vector<1x16xf32>,
      }
      %scan3A_325 = arith.constant 128 : i32
      %add3A_326 = arith.addi %mul3A_32, %add3A_285 : i32
      %jit3A_327 = arith.constant 2 : i32
      %div3A_328 = arith.divsi %add3A_326, %jit3A_327 : i32
      %sign3A_329 = arith.constant 0 : i32
      %sign3A_330 = arith.cmpi sgt, %add3A_326, %sign3A_329 : i32
      %sign3A_331 = arith.extui %sign3A_330 : i1 to i32
      %sign3A_332 = arith.constant 0 : i32
      %sign3A_333 = arith.cmpi slt, %add3A_326, %sign3A_332 : i32
      %sign3A_334 = arith.extui %sign3A_333 : i1 to i32
      %sign3A_335 = arith.subi %sign3A_331, %sign3A_334 : i32
      %sign3A_336 = arith.constant 0 : i32
      %sign3A_337 = arith.cmpi sgt, %jit3A_327, %sign3A_336 : i32
      %sign3A_338 = arith.extui %sign3A_337 : i1 to i32
      %sign3A_339 = arith.constant 0 : i32
      %sign3A_340 = arith.cmpi slt, %jit3A_327, %sign3A_339 : i32
      %sign3A_341 = arith.extui %sign3A_340 : i1 to i32
      %sign3A_342 = arith.subi %sign3A_338, %sign3A_341 : i32
      %ne3A_343 = arith.cmpi ne, %sign3A_335, %sign3A_342 : i32
      %rem3A_344 = arith.remsi %add3A_326, %jit3A_327 : i32
      %ne3A_345 = arith.constant 0 : i32
      %ne3A_346 = arith.cmpi ne, %rem3A_344, %ne3A_345 : i32
      %and3A_347 = arith.andi %ne3A_343, %ne3A_346 : i1
      %sub3A_348 = arith.constant 1 : i32
      %sub3A_349 = arith.subi %div3A_328, %sub3A_348 : i32
      %select_n3A_350 = arith.select %and3A_347, %sub3A_349, %div3A_328 : i32
      %jit3A_351 = arith.constant 2 : i32
      %eq3A_352 = arith.constant 0 : i32
      %eq3A_353 = arith.cmpi eq, %jit3A_351, %eq3A_352 : i32
      %jit3A_354 = arith.constant 1 : i32
      %select_n3A_355 = arith.select %eq3A_353, %jit3A_354, %jit3A_351 : i32
      %rem3A_356 = arith.remsi %add3A_326, %select_n3A_355 : i32
      %ne3A_357 = arith.constant 0 : i32
      %ne3A_358 = arith.cmpi ne, %rem3A_356, %ne3A_357 : i32
      %lt3A_359 = arith.constant 0 : i32
      %lt3A_360 = arith.cmpi slt, %rem3A_356, %lt3A_359 : i32
      %lt3A_361 = arith.constant 0 : i32
      %lt3A_362 = arith.cmpi slt, %select_n3A_355, %lt3A_361 : i32
      %ne3A_363 = arith.xori %lt3A_360, %lt3A_362 : i1
      %and3A_364 = arith.andi %ne3A_363, %ne3A_358 : i1
      %add3A_365 = arith.addi %rem3A_356, %select_n3A_355 : i32
      %select_n3A_366 = arith.select %and3A_364, %add3A_365, %rem3A_356 : i32
      %mul3A_367 = arith.constant 64 : i32
      %mul3A_368 = arith.muli %select_n3A_366, %mul3A_367 : i32
      %dma_start3A_369 = arith.constant 1 : i32
      %dma_start3A_370 = arith.constant 0 : i32
      %dma_start3A_371 = arith.constant 0 : i32
      %dma_start3A_372 = tpu.memref_slice %arg9[%dma_start3A_369, %dma_start3A_370, %dma_start3A_371] : memref<5x128x64xf32, #tpu.memory_space<vmem>> -> memref<1x128x64xf32, #tpu.memory_space<vmem>>
      %dma_start3A_373 = tpu.memref_squeeze %dma_start3A_372 : memref<1x128x64xf32, #tpu.memory_space<vmem>> -> memref<128x64xf32, #tpu.memory_space<vmem>>
      %dma_start3A_374 = tpu.memref_slice %arg5[%mul3A_34, %select_n3A_350, %mul3A_368] : memref<1024x100x128xf32, #tpu.memory_space<hbm>> -> memref<128x1x64xf32, #tpu.memory_space<hbm>>
      %dma_start3A_375 = tpu.memref_squeeze %dma_start3A_374 : memref<128x1x64xf32, #tpu.memory_space<hbm>> -> memref<128x64xf32, #tpu.memory_space<hbm>>
      %dma_start3A_376 = tpu.memref_slice %arg5[%mul3A_34, %select_n3A_350, %mul3A_368] : memref<1024x100x128xf32, #tpu.memory_space<hbm>> -> memref<128x1x64xf32, #tpu.memory_space<hbm>>
      %dma_start3A_377 = tpu.memref_squeeze %dma_start3A_376 : memref<128x1x64xf32, #tpu.memory_space<hbm>> -> memref<128x64xf32, #tpu.memory_space<hbm>>
      %dma_start3A_378 = arith.constant 0 : i32
      %dma_start3A_379 = arith.constant 0 : i32
      %dma_start3A_380 = tpu.memref_slice %arg9[%dma_start3A_369, %dma_start3A_378, %dma_start3A_379] : memref<5x128x64xf32, #tpu.memory_space<vmem>> -> memref<1x128x64xf32, #tpu.memory_space<vmem>>
      %dma_start3A_381 = tpu.memref_squeeze %dma_start3A_380 : memref<1x128x64xf32, #tpu.memory_space<vmem>> -> memref<128x64xf32, #tpu.memory_space<vmem>>
      tpu.enqueue_dma source(%dma_start3A_381 : memref<128x64xf32, #tpu.memory_space<vmem>>) target(%dma_start3A_377 : memref<128x64xf32, #tpu.memory_space<hbm>>) target_semaphore(%arg11 : memref<!tpu.dma_semaphore, #tpu.memory_space<semaphore_mem>>)
      %add3A_382 = arith.constant 5 : i32
      %add3A_383 = arith.addi %add3A_285, %add3A_382 : i32
      %lt3A_384 = arith.constant 50 : i32
      %lt3A_385 = arith.cmpi slt, %add3A_383, %lt3A_384 : i32
      %convert_element_type3A_386 = arith.extui %lt3A_385 : i1 to i32
      %cond3A_387 = arith.constant 0 : i32
      %cond3A_388 = arith.cmpi ne, %convert_element_type3A_386, %cond3A_387 : i32
      scf.if %cond3A_388 {
        %add3A_710 = arith.constant 5 : i32
        %add3A_711 = arith.addi %add3A_285, %add3A_710 : i32
        %dma_start3A_712 = arith.constant 1 : i32
        %dma_start3A_713 = arith.constant 0 : i32
        %dma_start3A_714 = arith.constant 0 : i32
        %dma_start3A_715 = tpu.memref_slice %arg8[%dma_start3A_712, %dma_start3A_713, %dma_start3A_714] : memref<5x128x64xf32, #tpu.memory_space<vmem>> -> memref<1x128x64xf32, #tpu.memory_space<vmem>>
        %dma_start3A_716 = tpu.memref_squeeze %dma_start3A_715 : memref<1x128x64xf32, #tpu.memory_space<vmem>> -> memref<128x64xf32, #tpu.memory_space<vmem>>
        %dma_start3A_717 = arith.constant 0 : i32
        %dma_start3A_718 = tpu.memref_slice %arg6[%add3A_711, %dma_start3A_717] : memref<50x128xi32, #tpu.memory_space<vmem>> -> memref<1x128xi32, #tpu.memory_space<vmem>>
        %dma_start3A_719 = tpu.memref_squeeze %dma_start3A_718 : memref<1x128xi32, #tpu.memory_space<vmem>> -> memref<128xi32, #tpu.memory_space<vmem>>
        %dma_start3A_720 = arith.constant 0 : i32
        %dma_start3A_721 = arith.constant 0 : i32
        %dma_start3A_722 = tpu.memref_slice %arg4[%dma_start3A_720, %dma_start3A_721] : memref<1000000x64xf32, #tpu.memory_space<hbm>> -> memref<1000000x64xf32, #tpu.memory_space<hbm>>
        tpu.enqueue_indirect_dma source(%dma_start3A_722 : memref<1000000x64xf32, #tpu.memory_space<hbm>>) target(%dma_start3A_716 : memref<128x64xf32, #tpu.memory_space<vmem>>) offsets(%dma_start3A_719 : memref<128xi32, #tpu.memory_space<vmem>>) semaphore(%arg10 : memref<!tpu.dma_semaphore, #tpu.memory_space<semaphore_mem>>)
      } else {
      }
      %mul3A_389 = arith.constant 5 : i32
      %mul3A_390 = arith.muli %scan3A_178, %mul3A_389 : i32
      %add3A_391 = arith.constant 2 : i32
      %add3A_392 = arith.addi %mul3A_390, %add3A_391 : i32
      %dma_wait3A_393 = arith.constant 2 : i32
      %dma_wait3A_394 = arith.constant 0 : i32
      %dma_wait3A_395 = arith.constant 0 : i32
      %dma_wait3A_396 = tpu.memref_slice %arg8[%dma_wait3A_393, %dma_wait3A_394, %dma_wait3A_395] : memref<5x128x64xf32, #tpu.memory_space<vmem>> -> memref<1x128x64xf32, #tpu.memory_space<vmem>>
      %dma_wait3A_397 = tpu.memref_squeeze %dma_wait3A_396 : memref<1x128x64xf32, #tpu.memory_space<vmem>> -> memref<128x64xf32, #tpu.memory_space<vmem>>
      %dma_wait3A_398 = arith.constant 0 : i32
      %dma_wait3A_399 = tpu.memref_slice %arg6[%add3A_392, %dma_wait3A_398] : memref<50x128xi32, #tpu.memory_space<vmem>> -> memref<1x128xi32, #tpu.memory_space<vmem>>
      %dma_wait3A_400 = tpu.memref_squeeze %dma_wait3A_399 : memref<1x128xi32, #tpu.memory_space<vmem>> -> memref<128xi32, #tpu.memory_space<vmem>>
      %dma_wait3A_401 = arith.constant 0 : i32
      %dma_wait3A_402 = arith.constant 0 : i32
      %dma_wait3A_403 = tpu.memref_slice %arg4[%dma_wait3A_401, %dma_wait3A_402] : memref<1000000x64xf32, #tpu.memory_space<hbm>> -> memref<1000000x64xf32, #tpu.memory_space<hbm>>
      tpu.wait_indirect_dma semaphore(%arg10 : memref<!tpu.dma_semaphore, #tpu.memory_space<semaphore_mem>>) src(%dma_wait3A_403 : memref<1000000x64xf32, #tpu.memory_space<hbm>>) dst(%dma_wait3A_397 : memref<128x64xf32, #tpu.memory_space<vmem>>)
      %ge3A_404 = arith.constant 5 : i32
      %ge3A_405 = arith.cmpi sge, %add3A_392, %ge3A_404 : i32
      %convert_element_type3A_406 = arith.extui %ge3A_405 : i1 to i32
      %cond3A_407 = arith.constant 2 : i32
      %cond3A_408 = arith.constant 0 : i32
      %cond3A_409 = arith.cmpi ne, %convert_element_type3A_406, %cond3A_408 : i32
      scf.if %cond3A_409 {
        %dma_wait3A_710 = arith.constant 0 : i32
        %dma_wait3A_711 = arith.constant 0 : i32
        %dma_wait3A_712 = arith.constant 0 : i32
        %dma_wait3A_713 = tpu.memref_slice %arg9[%cond3A_407, %dma_wait3A_711, %dma_wait3A_712] : memref<5x128x64xf32, #tpu.memory_space<vmem>> -> memref<1x128x64xf32, #tpu.memory_space<vmem>>
        %dma_wait3A_714 = tpu.memref_squeeze %dma_wait3A_713 : memref<1x128x64xf32, #tpu.memory_space<vmem>> -> memref<128x64xf32, #tpu.memory_space<vmem>>
        %dma_wait3A_715 = arith.constant 0 : i32
        %dma_wait3A_716 = tpu.memref_slice %arg5[%mul3A_34, %dma_wait3A_710, %dma_wait3A_715] : memref<1024x100x128xf32, #tpu.memory_space<hbm>> -> memref<128x1x64xf32, #tpu.memory_space<hbm>>
        %dma_wait3A_717 = tpu.memref_squeeze %dma_wait3A_716 : memref<128x1x64xf32, #tpu.memory_space<hbm>> -> memref<128x64xf32, #tpu.memory_space<hbm>>
        %dma_wait3A_718 = arith.constant 0 : i32
        %dma_wait3A_719 = tpu.memref_slice %arg5[%mul3A_34, %dma_wait3A_710, %dma_wait3A_718] : memref<1024x100x128xf32, #tpu.memory_space<hbm>> -> memref<128x1x64xf32, #tpu.memory_space<hbm>>
        %dma_wait3A_720 = tpu.memref_squeeze %dma_wait3A_719 : memref<128x1x64xf32, #tpu.memory_space<hbm>> -> memref<128x64xf32, #tpu.memory_space<hbm>>
        %dma_wait3A_721 = arith.constant 0 : i32
        %dma_wait3A_722 = arith.constant 0 : i32
        %dma_wait3A_723 = tpu.memref_slice %arg9[%cond3A_407, %dma_wait3A_721, %dma_wait3A_722] : memref<5x128x64xf32, #tpu.memory_space<vmem>> -> memref<1x128x64xf32, #tpu.memory_space<vmem>>
        %dma_wait3A_724 = tpu.memref_squeeze %dma_wait3A_723 : memref<1x128x64xf32, #tpu.memory_space<vmem>> -> memref<128x64xf32, #tpu.memory_space<vmem>>
        tpu.wait_dma2 semaphore(%arg11 : memref<!tpu.dma_semaphore, #tpu.memory_space<semaphore_mem>>) src(%dma_wait3A_724 : memref<128x64xf32, #tpu.memory_space<vmem>>) dst(%dma_wait3A_720 : memref<128x64xf32, #tpu.memory_space<hbm>>)
      } else {
      }
      %get3A_410 = arith.index_cast %add3A_392 : i32 to index
      %get3A_411 = arith.constant 0 : index
      %get3A_412 = tpu.vector_load %arg7[%get3A_410, %get3A_411] {strides = array<i32>} : memref<50x64xf32, #tpu.memory_space<vmem>>, vector<1x16xf32>,
      %get3A_413 = vector.shape_cast %get3A_412 : vector<1x16xf32> to vector<16xf32>
      %get3A_414 = arith.index_cast %add3A_392 : i32 to index
      %get3A_415 = arith.constant 16 : index
      %get3A_416 = tpu.vector_load %arg7[%get3A_414, %get3A_415] {strides = array<i32>} : memref<50x64xf32, #tpu.memory_space<vmem>>, vector<1x16xf32>,
      %get3A_417 = vector.shape_cast %get3A_416 : vector<1x16xf32> to vector<16xf32>
      %get3A_418 = arith.index_cast %add3A_392 : i32 to index
      %get3A_419 = arith.constant 32 : index
      %get3A_420 = tpu.vector_load %arg7[%get3A_418, %get3A_419] {strides = array<i32>} : memref<50x64xf32, #tpu.memory_space<vmem>>, vector<1x16xf32>,
      %get3A_421 = vector.shape_cast %get3A_420 : vector<1x16xf32> to vector<16xf32>
      %get3A_422 = arith.index_cast %add3A_392 : i32 to index
      %get3A_423 = arith.constant 48 : index
      %get3A_424 = tpu.vector_load %arg7[%get3A_422, %get3A_423] {strides = array<i32>} : memref<50x64xf32, #tpu.memory_space<vmem>>, vector<1x16xf32>,
      %get3A_425 = vector.shape_cast %get3A_424 : vector<1x16xf32> to vector<16xf32>
      %scan3A_426 = arith.constant 2 : i32
      %scan3A_427 = arith.constant 2 : i32
      %scan3A_428 = arith.constant 0 : i32
      %scan3A_429 = arith.constant 128 : i32
      %scan3A_430 = arith.addi %scan3A_428, %scan3A_429 : i32
      %scan3A_431 = arith.constant 1 : i32
      scf.for %scan3A_710 = %scan3A_428 to %scan3A_430 step %scan3A_431  : i32 {
        %get3A_711 = arith.constant 0 : i32
        %get3A_712 = arith.constant 0 : i32
        %get3A_713 = tpu.memref_slice %arg8[%scan3A_426, %get3A_711, %get3A_712] : memref<5x128x64xf32, #tpu.memory_space<vmem>> -> memref<1x128x64xf32, #tpu.memory_space<vmem>>
        %get3A_714 = tpu.memref_squeeze %get3A_713 : memref<1x128x64xf32, #tpu.memory_space<vmem>> -> memref<128x64xf32, #tpu.memory_space<vmem>>
        %get3A_715 = arith.index_cast %scan3A_710 : i32 to index
        %get3A_716 = arith.constant 0 : index
        %get3A_717 = tpu.vector_load %get3A_714[%get3A_715, %get3A_716] {strides = array<i32>} : memref<128x64xf32, #tpu.memory_space<vmem>>, vector<1x16xf32>,
        %get3A_718 = vector.shape_cast %get3A_717 : vector<1x16xf32> to vector<16xf32>
        %mul3A_719 = arith.constant 8.000000e+00 : f32
        %mul3A_720 = vector.broadcast %mul3A_719 : f32 to vector<16xf32>
        %mul3A_721 = arith.mulf %get3A_718, %mul3A_720 : vector<16xf32>
        %add3A_722 = arith.addf %mul3A_721, %get3A_413 : vector<16xf32>
        %swap3A = arith.constant 0 : i32
        %swap3A_723 = arith.constant 0 : i32
        %swap3A_724 = tpu.memref_slice %arg9[%scan3A_427, %swap3A, %swap3A_723] : memref<5x128x64xf32, #tpu.memory_space<vmem>> -> memref<1x128x64xf32, #tpu.memory_space<vmem>>
        %swap3A_725 = tpu.memref_squeeze %swap3A_724 : memref<1x128x64xf32, #tpu.memory_space<vmem>> -> memref<128x64xf32, #tpu.memory_space<vmem>>
        %swap3A_726 = arith.index_cast %scan3A_710 : i32 to index
        %swap3A_727 = arith.constant 0 : index
        %swap3A_728 = tpu.vector_load %swap3A_725[%swap3A_726, %swap3A_727] {strides = array<i32>} : memref<128x64xf32, #tpu.memory_space<vmem>>, vector<1x16xf32>,
        %swap3A_729 = vector.shape_cast %swap3A_728 : vector<1x16xf32> to vector<16xf32>
        %swap3A_730 = vector.shape_cast %add3A_722 : vector<16xf32> to vector<1x16xf32>
        tpu.vector_store %swap3A_725[%swap3A_726, %swap3A_727], %swap3A_730 {strides = array<i32>} : memref<128x64xf32, #tpu.memory_space<vmem>>, vector<1x16xf32>,
        %get3A_731 = arith.constant 0 : i32
        %get3A_732 = arith.constant 0 : i32
        %get3A_733 = tpu.memref_slice %arg8[%scan3A_426, %get3A_731, %get3A_732] : memref<5x128x64xf32, #tpu.memory_space<vmem>> -> memref<1x128x64xf32, #tpu.memory_space<vmem>>
        %get3A_734 = tpu.memref_squeeze %get3A_733 : memref<1x128x64xf32, #tpu.memory_space<vmem>> -> memref<128x64xf32, #tpu.memory_space<vmem>>
        %get3A_735 = arith.index_cast %scan3A_710 : i32 to index
        %get3A_736 = arith.constant 16 : index
        %get3A_737 = tpu.vector_load %get3A_734[%get3A_735, %get3A_736] {strides = array<i32>} : memref<128x64xf32, #tpu.memory_space<vmem>>, vector<1x16xf32>,
        %get3A_738 = vector.shape_cast %get3A_737 : vector<1x16xf32> to vector<16xf32>
        %mul3A_739 = arith.constant 8.000000e+00 : f32
        %mul3A_740 = vector.broadcast %mul3A_739 : f32 to vector<16xf32>
        %mul3A_741 = arith.mulf %get3A_738, %mul3A_740 : vector<16xf32>
        %add3A_742 = arith.addf %mul3A_741, %get3A_417 : vector<16xf32>
        %swap3A_743 = arith.constant 0 : i32
        %swap3A_744 = arith.constant 0 : i32
        %swap3A_745 = tpu.memref_slice %arg9[%scan3A_427, %swap3A_743, %swap3A_744] : memref<5x128x64xf32, #tpu.memory_space<vmem>> -> memref<1x128x64xf32, #tpu.memory_space<vmem>>
        %swap3A_746 = tpu.memref_squeeze %swap3A_745 : memref<1x128x64xf32, #tpu.memory_space<vmem>> -> memref<128x64xf32, #tpu.memory_space<vmem>>
        %swap3A_747 = arith.index_cast %scan3A_710 : i32 to index
        %swap3A_748 = arith.constant 16 : index
        %swap3A_749 = tpu.vector_load %swap3A_746[%swap3A_747, %swap3A_748] {strides = array<i32>} : memref<128x64xf32, #tpu.memory_space<vmem>>, vector<1x16xf32>,
        %swap3A_750 = vector.shape_cast %swap3A_749 : vector<1x16xf32> to vector<16xf32>
        %swap3A_751 = vector.shape_cast %add3A_742 : vector<16xf32> to vector<1x16xf32>
        tpu.vector_store %swap3A_746[%swap3A_747, %swap3A_748], %swap3A_751 {strides = array<i32>} : memref<128x64xf32, #tpu.memory_space<vmem>>, vector<1x16xf32>,
        %get3A_752 = arith.constant 0 : i32
        %get3A_753 = arith.constant 0 : i32
        %get3A_754 = tpu.memref_slice %arg8[%scan3A_426, %get3A_752, %get3A_753] : memref<5x128x64xf32, #tpu.memory_space<vmem>> -> memref<1x128x64xf32, #tpu.memory_space<vmem>>
        %get3A_755 = tpu.memref_squeeze %get3A_754 : memref<1x128x64xf32, #tpu.memory_space<vmem>> -> memref<128x64xf32, #tpu.memory_space<vmem>>
        %get3A_756 = arith.index_cast %scan3A_710 : i32 to index
        %get3A_757 = arith.constant 32 : index
        %get3A_758 = tpu.vector_load %get3A_755[%get3A_756, %get3A_757] {strides = array<i32>} : memref<128x64xf32, #tpu.memory_space<vmem>>, vector<1x16xf32>,
        %get3A_759 = vector.shape_cast %get3A_758 : vector<1x16xf32> to vector<16xf32>
        %mul3A_760 = arith.constant 8.000000e+00 : f32
        %mul3A_761 = vector.broadcast %mul3A_760 : f32 to vector<16xf32>
        %mul3A_762 = arith.mulf %get3A_759, %mul3A_761 : vector<16xf32>
        %add3A_763 = arith.addf %mul3A_762, %get3A_421 : vector<16xf32>
        %swap3A_764 = arith.constant 0 : i32
        %swap3A_765 = arith.constant 0 : i32
        %swap3A_766 = tpu.memref_slice %arg9[%scan3A_427, %swap3A_764, %swap3A_765] : memref<5x128x64xf32, #tpu.memory_space<vmem>> -> memref<1x128x64xf32, #tpu.memory_space<vmem>>
        %swap3A_767 = tpu.memref_squeeze %swap3A_766 : memref<1x128x64xf32, #tpu.memory_space<vmem>> -> memref<128x64xf32, #tpu.memory_space<vmem>>
        %swap3A_768 = arith.index_cast %scan3A_710 : i32 to index
        %swap3A_769 = arith.constant 32 : index
        %swap3A_770 = tpu.vector_load %swap3A_767[%swap3A_768, %swap3A_769] {strides = array<i32>} : memref<128x64xf32, #tpu.memory_space<vmem>>, vector<1x16xf32>,
        %swap3A_771 = vector.shape_cast %swap3A_770 : vector<1x16xf32> to vector<16xf32>
        %swap3A_772 = vector.shape_cast %add3A_763 : vector<16xf32> to vector<1x16xf32>
        tpu.vector_store %swap3A_767[%swap3A_768, %swap3A_769], %swap3A_772 {strides = array<i32>} : memref<128x64xf32, #tpu.memory_space<vmem>>, vector<1x16xf32>,
        %get3A_773 = arith.constant 0 : i32
        %get3A_774 = arith.constant 0 : i32
        %get3A_775 = tpu.memref_slice %arg8[%scan3A_426, %get3A_773, %get3A_774] : memref<5x128x64xf32, #tpu.memory_space<vmem>> -> memref<1x128x64xf32, #tpu.memory_space<vmem>>
        %get3A_776 = tpu.memref_squeeze %get3A_775 : memref<1x128x64xf32, #tpu.memory_space<vmem>> -> memref<128x64xf32, #tpu.memory_space<vmem>>
        %get3A_777 = arith.index_cast %scan3A_710 : i32 to index
        %get3A_778 = arith.constant 48 : index
        %get3A_779 = tpu.vector_load %get3A_776[%get3A_777, %get3A_778] {strides = array<i32>} : memref<128x64xf32, #tpu.memory_space<vmem>>, vector<1x16xf32>,
        %get3A_780 = vector.shape_cast %get3A_779 : vector<1x16xf32> to vector<16xf32>
        %mul3A_781 = arith.constant 8.000000e+00 : f32
        %mul3A_782 = vector.broadcast %mul3A_781 : f32 to vector<16xf32>
        %mul3A_783 = arith.mulf %get3A_780, %mul3A_782 : vector<16xf32>
        %add3A_784 = arith.addf %mul3A_783, %get3A_425 : vector<16xf32>
        %swap3A_785 = arith.constant 0 : i32
        %swap3A_786 = arith.constant 0 : i32
        %swap3A_787 = tpu.memref_slice %arg9[%scan3A_427, %swap3A_785, %swap3A_786] : memref<5x128x64xf32, #tpu.memory_space<vmem>> -> memref<1x128x64xf32, #tpu.memory_space<vmem>>
        %swap3A_788 = tpu.memref_squeeze %swap3A_787 : memref<1x128x64xf32, #tpu.memory_space<vmem>> -> memref<128x64xf32, #tpu.memory_space<vmem>>
        %swap3A_789 = arith.index_cast %scan3A_710 : i32 to index
        %swap3A_790 = arith.constant 48 : index
        %swap3A_791 = tpu.vector_load %swap3A_788[%swap3A_789, %swap3A_790] {strides = array<i32>} : memref<128x64xf32, #tpu.memory_space<vmem>>, vector<1x16xf32>,
        %swap3A_792 = vector.shape_cast %swap3A_791 : vector<1x16xf32> to vector<16xf32>
        %swap3A_793 = vector.shape_cast %add3A_784 : vector<16xf32> to vector<1x16xf32>
        tpu.vector_store %swap3A_788[%swap3A_789, %swap3A_790], %swap3A_793 {strides = array<i32>} : memref<128x64xf32, #tpu.memory_space<vmem>>, vector<1x16xf32>,
      }
      %scan3A_432 = arith.constant 128 : i32
      %add3A_433 = arith.addi %mul3A_32, %add3A_392 : i32
      %jit3A_434 = arith.constant 2 : i32
      %div3A_435 = arith.divsi %add3A_433, %jit3A_434 : i32
      %sign3A_436 = arith.constant 0 : i32
      %sign3A_437 = arith.cmpi sgt, %add3A_433, %sign3A_436 : i32
      %sign3A_438 = arith.extui %sign3A_437 : i1 to i32
      %sign3A_439 = arith.constant 0 : i32
      %sign3A_440 = arith.cmpi slt, %add3A_433, %sign3A_439 : i32
      %sign3A_441 = arith.extui %sign3A_440 : i1 to i32
      %sign3A_442 = arith.subi %sign3A_438, %sign3A_441 : i32
      %sign3A_443 = arith.constant 0 : i32
      %sign3A_444 = arith.cmpi sgt, %jit3A_434, %sign3A_443 : i32
      %sign3A_445 = arith.extui %sign3A_444 : i1 to i32
      %sign3A_446 = arith.constant 0 : i32
      %sign3A_447 = arith.cmpi slt, %jit3A_434, %sign3A_446 : i32
      %sign3A_448 = arith.extui %sign3A_447 : i1 to i32
      %sign3A_449 = arith.subi %sign3A_445, %sign3A_448 : i32
      %ne3A_450 = arith.cmpi ne, %sign3A_442, %sign3A_449 : i32
      %rem3A_451 = arith.remsi %add3A_433, %jit3A_434 : i32
      %ne3A_452 = arith.constant 0 : i32
      %ne3A_453 = arith.cmpi ne, %rem3A_451, %ne3A_452 : i32
      %and3A_454 = arith.andi %ne3A_450, %ne3A_453 : i1
      %sub3A_455 = arith.constant 1 : i32
      %sub3A_456 = arith.subi %div3A_435, %sub3A_455 : i32
      %select_n3A_457 = arith.select %and3A_454, %sub3A_456, %div3A_435 : i32
      %jit3A_458 = arith.constant 2 : i32
      %eq3A_459 = arith.constant 0 : i32
      %eq3A_460 = arith.cmpi eq, %jit3A_458, %eq3A_459 : i32
      %jit3A_461 = arith.constant 1 : i32
      %select_n3A_462 = arith.select %eq3A_460, %jit3A_461, %jit3A_458 : i32
      %rem3A_463 = arith.remsi %add3A_433, %select_n3A_462 : i32
      %ne3A_464 = arith.constant 0 : i32
      %ne3A_465 = arith.cmpi ne, %rem3A_463, %ne3A_464 : i32
      %lt3A_466 = arith.constant 0 : i32
      %lt3A_467 = arith.cmpi slt, %rem3A_463, %lt3A_466 : i32
      %lt3A_468 = arith.constant 0 : i32
      %lt3A_469 = arith.cmpi slt, %select_n3A_462, %lt3A_468 : i32
      %ne3A_470 = arith.xori %lt3A_467, %lt3A_469 : i1
      %and3A_471 = arith.andi %ne3A_470, %ne3A_465 : i1
      %add3A_472 = arith.addi %rem3A_463, %select_n3A_462 : i32
      %select_n3A_473 = arith.select %and3A_471, %add3A_472, %rem3A_463 : i32
      %mul3A_474 = arith.constant 64 : i32
      %mul3A_475 = arith.muli %select_n3A_473, %mul3A_474 : i32
      %dma_start3A_476 = arith.constant 2 : i32
      %dma_start3A_477 = arith.constant 0 : i32
      %dma_start3A_478 = arith.constant 0 : i32
      %dma_start3A_479 = tpu.memref_slice %arg9[%dma_start3A_476, %dma_start3A_477, %dma_start3A_478] : memref<5x128x64xf32, #tpu.memory_space<vmem>> -> memref<1x128x64xf32, #tpu.memory_space<vmem>>
      %dma_start3A_480 = tpu.memref_squeeze %dma_start3A_479 : memref<1x128x64xf32, #tpu.memory_space<vmem>> -> memref<128x64xf32, #tpu.memory_space<vmem>>
      %dma_start3A_481 = tpu.memref_slice %arg5[%mul3A_34, %select_n3A_457, %mul3A_475] : memref<1024x100x128xf32, #tpu.memory_space<hbm>> -> memref<128x1x64xf32, #tpu.memory_space<hbm>>
      %dma_start3A_482 = tpu.memref_squeeze %dma_start3A_481 : memref<128x1x64xf32, #tpu.memory_space<hbm>> -> memref<128x64xf32, #tpu.memory_space<hbm>>
      %dma_start3A_483 = tpu.memref_slice %arg5[%mul3A_34, %select_n3A_457, %mul3A_475] : memref<1024x100x128xf32, #tpu.memory_space<hbm>> -> memref<128x1x64xf32, #tpu.memory_space<hbm>>
      %dma_start3A_484 = tpu.memref_squeeze %dma_start3A_483 : memref<128x1x64xf32, #tpu.memory_space<hbm>> -> memref<128x64xf32, #tpu.memory_space<hbm>>
      %dma_start3A_485 = arith.constant 0 : i32
      %dma_start3A_486 = arith.constant 0 : i32
      %dma_start3A_487 = tpu.memref_slice %arg9[%dma_start3A_476, %dma_start3A_485, %dma_start3A_486] : memref<5x128x64xf32, #tpu.memory_space<vmem>> -> memref<1x128x64xf32, #tpu.memory_space<vmem>>
      %dma_start3A_488 = tpu.memref_squeeze %dma_start3A_487 : memref<1x128x64xf32, #tpu.memory_space<vmem>> -> memref<128x64xf32, #tpu.memory_space<vmem>>
      tpu.enqueue_dma source(%dma_start3A_488 : memref<128x64xf32, #tpu.memory_space<vmem>>) target(%dma_start3A_484 : memref<128x64xf32, #tpu.memory_space<hbm>>) target_semaphore(%arg11 : memref<!tpu.dma_semaphore, #tpu.memory_space<semaphore_mem>>)
      %add3A_489 = arith.constant 5 : i32
      %add3A_490 = arith.addi %add3A_392, %add3A_489 : i32
      %lt3A_491 = arith.constant 50 : i32
      %lt3A_492 = arith.cmpi slt, %add3A_490, %lt3A_491 : i32
      %convert_element_type3A_493 = arith.extui %lt3A_492 : i1 to i32
      %cond3A_494 = arith.constant 0 : i32
      %cond3A_495 = arith.cmpi ne, %convert_element_type3A_493, %cond3A_494 : i32
      scf.if %cond3A_495 {
        %add3A_710 = arith.constant 5 : i32
        %add3A_711 = arith.addi %add3A_392, %add3A_710 : i32
        %dma_start3A_712 = arith.constant 2 : i32
        %dma_start3A_713 = arith.constant 0 : i32
        %dma_start3A_714 = arith.constant 0 : i32
        %dma_start3A_715 = tpu.memref_slice %arg8[%dma_start3A_712, %dma_start3A_713, %dma_start3A_714] : memref<5x128x64xf32, #tpu.memory_space<vmem>> -> memref<1x128x64xf32, #tpu.memory_space<vmem>>
        %dma_start3A_716 = tpu.memref_squeeze %dma_start3A_715 : memref<1x128x64xf32, #tpu.memory_space<vmem>> -> memref<128x64xf32, #tpu.memory_space<vmem>>
        %dma_start3A_717 = arith.constant 0 : i32
        %dma_start3A_718 = tpu.memref_slice %arg6[%add3A_711, %dma_start3A_717] : memref<50x128xi32, #tpu.memory_space<vmem>> -> memref<1x128xi32, #tpu.memory_space<vmem>>
        %dma_start3A_719 = tpu.memref_squeeze %dma_start3A_718 : memref<1x128xi32, #tpu.memory_space<vmem>> -> memref<128xi32, #tpu.memory_space<vmem>>
        %dma_start3A_720 = arith.constant 0 : i32
        %dma_start3A_721 = arith.constant 0 : i32
        %dma_start3A_722 = tpu.memref_slice %arg4[%dma_start3A_720, %dma_start3A_721] : memref<1000000x64xf32, #tpu.memory_space<hbm>> -> memref<1000000x64xf32, #tpu.memory_space<hbm>>
        tpu.enqueue_indirect_dma source(%dma_start3A_722 : memref<1000000x64xf32, #tpu.memory_space<hbm>>) target(%dma_start3A_716 : memref<128x64xf32, #tpu.memory_space<vmem>>) offsets(%dma_start3A_719 : memref<128xi32, #tpu.memory_space<vmem>>) semaphore(%arg10 : memref<!tpu.dma_semaphore, #tpu.memory_space<semaphore_mem>>)
      } else {
      }
      %mul3A_496 = arith.constant 5 : i32
      %mul3A_497 = arith.muli %scan3A_178, %mul3A_496 : i32
      %add3A_498 = arith.constant 3 : i32
      %add3A_499 = arith.addi %mul3A_497, %add3A_498 : i32
      %dma_wait3A_500 = arith.constant 3 : i32
      %dma_wait3A_501 = arith.constant 0 : i32
      %dma_wait3A_502 = arith.constant 0 : i32
      %dma_wait3A_503 = tpu.memref_slice %arg8[%dma_wait3A_500, %dma_wait3A_501, %dma_wait3A_502] : memref<5x128x64xf32, #tpu.memory_space<vmem>> -> memref<1x128x64xf32, #tpu.memory_space<vmem>>
      %dma_wait3A_504 = tpu.memref_squeeze %dma_wait3A_503 : memref<1x128x64xf32, #tpu.memory_space<vmem>> -> memref<128x64xf32, #tpu.memory_space<vmem>>
      %dma_wait3A_505 = arith.constant 0 : i32
      %dma_wait3A_506 = tpu.memref_slice %arg6[%add3A_499, %dma_wait3A_505] : memref<50x128xi32, #tpu.memory_space<vmem>> -> memref<1x128xi32, #tpu.memory_space<vmem>>
      %dma_wait3A_507 = tpu.memref_squeeze %dma_wait3A_506 : memref<1x128xi32, #tpu.memory_space<vmem>> -> memref<128xi32, #tpu.memory_space<vmem>>
      %dma_wait3A_508 = arith.constant 0 : i32
      %dma_wait3A_509 = arith.constant 0 : i32
      %dma_wait3A_510 = tpu.memref_slice %arg4[%dma_wait3A_508, %dma_wait3A_509] : memref<1000000x64xf32, #tpu.memory_space<hbm>> -> memref<1000000x64xf32, #tpu.memory_space<hbm>>
      tpu.wait_indirect_dma semaphore(%arg10 : memref<!tpu.dma_semaphore, #tpu.memory_space<semaphore_mem>>) src(%dma_wait3A_510 : memref<1000000x64xf32, #tpu.memory_space<hbm>>) dst(%dma_wait3A_504 : memref<128x64xf32, #tpu.memory_space<vmem>>)
      %ge3A_511 = arith.constant 5 : i32
      %ge3A_512 = arith.cmpi sge, %add3A_499, %ge3A_511 : i32
      %convert_element_type3A_513 = arith.extui %ge3A_512 : i1 to i32
      %cond3A_514 = arith.constant 3 : i32
      %cond3A_515 = arith.constant 0 : i32
      %cond3A_516 = arith.cmpi ne, %convert_element_type3A_513, %cond3A_515 : i32
      scf.if %cond3A_516 {
        %dma_wait3A_710 = arith.constant 0 : i32
        %dma_wait3A_711 = arith.constant 0 : i32
        %dma_wait3A_712 = arith.constant 0 : i32
        %dma_wait3A_713 = tpu.memref_slice %arg9[%cond3A_514, %dma_wait3A_711, %dma_wait3A_712] : memref<5x128x64xf32, #tpu.memory_space<vmem>> -> memref<1x128x64xf32, #tpu.memory_space<vmem>>
        %dma_wait3A_714 = tpu.memref_squeeze %dma_wait3A_713 : memref<1x128x64xf32, #tpu.memory_space<vmem>> -> memref<128x64xf32, #tpu.memory_space<vmem>>
        %dma_wait3A_715 = arith.constant 0 : i32
        %dma_wait3A_716 = tpu.memref_slice %arg5[%mul3A_34, %dma_wait3A_710, %dma_wait3A_715] : memref<1024x100x128xf32, #tpu.memory_space<hbm>> -> memref<128x1x64xf32, #tpu.memory_space<hbm>>
        %dma_wait3A_717 = tpu.memref_squeeze %dma_wait3A_716 : memref<128x1x64xf32, #tpu.memory_space<hbm>> -> memref<128x64xf32, #tpu.memory_space<hbm>>
        %dma_wait3A_718 = arith.constant 0 : i32
        %dma_wait3A_719 = tpu.memref_slice %arg5[%mul3A_34, %dma_wait3A_710, %dma_wait3A_718] : memref<1024x100x128xf32, #tpu.memory_space<hbm>> -> memref<128x1x64xf32, #tpu.memory_space<hbm>>
        %dma_wait3A_720 = tpu.memref_squeeze %dma_wait3A_719 : memref<128x1x64xf32, #tpu.memory_space<hbm>> -> memref<128x64xf32, #tpu.memory_space<hbm>>
        %dma_wait3A_721 = arith.constant 0 : i32
        %dma_wait3A_722 = arith.constant 0 : i32
        %dma_wait3A_723 = tpu.memref_slice %arg9[%cond3A_514, %dma_wait3A_721, %dma_wait3A_722] : memref<5x128x64xf32, #tpu.memory_space<vmem>> -> memref<1x128x64xf32, #tpu.memory_space<vmem>>
        %dma_wait3A_724 = tpu.memref_squeeze %dma_wait3A_723 : memref<1x128x64xf32, #tpu.memory_space<vmem>> -> memref<128x64xf32, #tpu.memory_space<vmem>>
        tpu.wait_dma2 semaphore(%arg11 : memref<!tpu.dma_semaphore, #tpu.memory_space<semaphore_mem>>) src(%dma_wait3A_724 : memref<128x64xf32, #tpu.memory_space<vmem>>) dst(%dma_wait3A_720 : memref<128x64xf32, #tpu.memory_space<hbm>>)
      } else {
      }
      %get3A_517 = arith.index_cast %add3A_499 : i32 to index
      %get3A_518 = arith.constant 0 : index
      %get3A_519 = tpu.vector_load %arg7[%get3A_517, %get3A_518] {strides = array<i32>} : memref<50x64xf32, #tpu.memory_space<vmem>>, vector<1x16xf32>,
      %get3A_520 = vector.shape_cast %get3A_519 : vector<1x16xf32> to vector<16xf32>
      %get3A_521 = arith.index_cast %add3A_499 : i32 to index
      %get3A_522 = arith.constant 16 : index
      %get3A_523 = tpu.vector_load %arg7[%get3A_521, %get3A_522] {strides = array<i32>} : memref<50x64xf32, #tpu.memory_space<vmem>>, vector<1x16xf32>,
      %get3A_524 = vector.shape_cast %get3A_523 : vector<1x16xf32> to vector<16xf32>
      %get3A_525 = arith.index_cast %add3A_499 : i32 to index
      %get3A_526 = arith.constant 32 : index
      %get3A_527 = tpu.vector_load %arg7[%get3A_525, %get3A_526] {strides = array<i32>} : memref<50x64xf32, #tpu.memory_space<vmem>>, vector<1x16xf32>,
      %get3A_528 = vector.shape_cast %get3A_527 : vector<1x16xf32> to vector<16xf32>
      %get3A_529 = arith.index_cast %add3A_499 : i32 to index
      %get3A_530 = arith.constant 48 : index
      %get3A_531 = tpu.vector_load %arg7[%get3A_529, %get3A_530] {strides = array<i32>} : memref<50x64xf32, #tpu.memory_space<vmem>>, vector<1x16xf32>,
      %get3A_532 = vector.shape_cast %get3A_531 : vector<1x16xf32> to vector<16xf32>
      %scan3A_533 = arith.constant 3 : i32
      %scan3A_534 = arith.constant 3 : i32
      %scan3A_535 = arith.constant 0 : i32
      %scan3A_536 = arith.constant 128 : i32
      %scan3A_537 = arith.addi %scan3A_535, %scan3A_536 : i32
      %scan3A_538 = arith.constant 1 : i32
      scf.for %scan3A_710 = %scan3A_535 to %scan3A_537 step %scan3A_538  : i32 {
        %get3A_711 = arith.constant 0 : i32
        %get3A_712 = arith.constant 0 : i32
        %get3A_713 = tpu.memref_slice %arg8[%scan3A_533, %get3A_711, %get3A_712] : memref<5x128x64xf32, #tpu.memory_space<vmem>> -> memref<1x128x64xf32, #tpu.memory_space<vmem>>
        %get3A_714 = tpu.memref_squeeze %get3A_713 : memref<1x128x64xf32, #tpu.memory_space<vmem>> -> memref<128x64xf32, #tpu.memory_space<vmem>>
        %get3A_715 = arith.index_cast %scan3A_710 : i32 to index
        %get3A_716 = arith.constant 0 : index
        %get3A_717 = tpu.vector_load %get3A_714[%get3A_715, %get3A_716] {strides = array<i32>} : memref<128x64xf32, #tpu.memory_space<vmem>>, vector<1x16xf32>,
        %get3A_718 = vector.shape_cast %get3A_717 : vector<1x16xf32> to vector<16xf32>
        %mul3A_719 = arith.constant 8.000000e+00 : f32
        %mul3A_720 = vector.broadcast %mul3A_719 : f32 to vector<16xf32>
        %mul3A_721 = arith.mulf %get3A_718, %mul3A_720 : vector<16xf32>
        %add3A_722 = arith.addf %mul3A_721, %get3A_520 : vector<16xf32>
        %swap3A = arith.constant 0 : i32
        %swap3A_723 = arith.constant 0 : i32
        %swap3A_724 = tpu.memref_slice %arg9[%scan3A_534, %swap3A, %swap3A_723] : memref<5x128x64xf32, #tpu.memory_space<vmem>> -> memref<1x128x64xf32, #tpu.memory_space<vmem>>
        %swap3A_725 = tpu.memref_squeeze %swap3A_724 : memref<1x128x64xf32, #tpu.memory_space<vmem>> -> memref<128x64xf32, #tpu.memory_space<vmem>>
        %swap3A_726 = arith.index_cast %scan3A_710 : i32 to index
        %swap3A_727 = arith.constant 0 : index
        %swap3A_728 = tpu.vector_load %swap3A_725[%swap3A_726, %swap3A_727] {strides = array<i32>} : memref<128x64xf32, #tpu.memory_space<vmem>>, vector<1x16xf32>,
        %swap3A_729 = vector.shape_cast %swap3A_728 : vector<1x16xf32> to vector<16xf32>
        %swap3A_730 = vector.shape_cast %add3A_722 : vector<16xf32> to vector<1x16xf32>
        tpu.vector_store %swap3A_725[%swap3A_726, %swap3A_727], %swap3A_730 {strides = array<i32>} : memref<128x64xf32, #tpu.memory_space<vmem>>, vector<1x16xf32>,
        %get3A_731 = arith.constant 0 : i32
        %get3A_732 = arith.constant 0 : i32
        %get3A_733 = tpu.memref_slice %arg8[%scan3A_533, %get3A_731, %get3A_732] : memref<5x128x64xf32, #tpu.memory_space<vmem>> -> memref<1x128x64xf32, #tpu.memory_space<vmem>>
        %get3A_734 = tpu.memref_squeeze %get3A_733 : memref<1x128x64xf32, #tpu.memory_space<vmem>> -> memref<128x64xf32, #tpu.memory_space<vmem>>
        %get3A_735 = arith.index_cast %scan3A_710 : i32 to index
        %get3A_736 = arith.constant 16 : index
        %get3A_737 = tpu.vector_load %get3A_734[%get3A_735, %get3A_736] {strides = array<i32>} : memref<128x64xf32, #tpu.memory_space<vmem>>, vector<1x16xf32>,
        %get3A_738 = vector.shape_cast %get3A_737 : vector<1x16xf32> to vector<16xf32>
        %mul3A_739 = arith.constant 8.000000e+00 : f32
        %mul3A_740 = vector.broadcast %mul3A_739 : f32 to vector<16xf32>
        %mul3A_741 = arith.mulf %get3A_738, %mul3A_740 : vector<16xf32>
        %add3A_742 = arith.addf %mul3A_741, %get3A_524 : vector<16xf32>
        %swap3A_743 = arith.constant 0 : i32
        %swap3A_744 = arith.constant 0 : i32
        %swap3A_745 = tpu.memref_slice %arg9[%scan3A_534, %swap3A_743, %swap3A_744] : memref<5x128x64xf32, #tpu.memory_space<vmem>> -> memref<1x128x64xf32, #tpu.memory_space<vmem>>
        %swap3A_746 = tpu.memref_squeeze %swap3A_745 : memref<1x128x64xf32, #tpu.memory_space<vmem>> -> memref<128x64xf32, #tpu.memory_space<vmem>>
        %swap3A_747 = arith.index_cast %scan3A_710 : i32 to index
        %swap3A_748 = arith.constant 16 : index
        %swap3A_749 = tpu.vector_load %swap3A_746[%swap3A_747, %swap3A_748] {strides = array<i32>} : memref<128x64xf32, #tpu.memory_space<vmem>>, vector<1x16xf32>,
        %swap3A_750 = vector.shape_cast %swap3A_749 : vector<1x16xf32> to vector<16xf32>
        %swap3A_751 = vector.shape_cast %add3A_742 : vector<16xf32> to vector<1x16xf32>
        tpu.vector_store %swap3A_746[%swap3A_747, %swap3A_748], %swap3A_751 {strides = array<i32>} : memref<128x64xf32, #tpu.memory_space<vmem>>, vector<1x16xf32>,
        %get3A_752 = arith.constant 0 : i32
        %get3A_753 = arith.constant 0 : i32
        %get3A_754 = tpu.memref_slice %arg8[%scan3A_533, %get3A_752, %get3A_753] : memref<5x128x64xf32, #tpu.memory_space<vmem>> -> memref<1x128x64xf32, #tpu.memory_space<vmem>>
        %get3A_755 = tpu.memref_squeeze %get3A_754 : memref<1x128x64xf32, #tpu.memory_space<vmem>> -> memref<128x64xf32, #tpu.memory_space<vmem>>
        %get3A_756 = arith.index_cast %scan3A_710 : i32 to index
        %get3A_757 = arith.constant 32 : index
        %get3A_758 = tpu.vector_load %get3A_755[%get3A_756, %get3A_757] {strides = array<i32>} : memref<128x64xf32, #tpu.memory_space<vmem>>, vector<1x16xf32>,
        %get3A_759 = vector.shape_cast %get3A_758 : vector<1x16xf32> to vector<16xf32>
        %mul3A_760 = arith.constant 8.000000e+00 : f32
        %mul3A_761 = vector.broadcast %mul3A_760 : f32 to vector<16xf32>
        %mul3A_762 = arith.mulf %get3A_759, %mul3A_761 : vector<16xf32>
        %add3A_763 = arith.addf %mul3A_762, %get3A_528 : vector<16xf32>
        %swap3A_764 = arith.constant 0 : i32
        %swap3A_765 = arith.constant 0 : i32
        %swap3A_766 = tpu.memref_slice %arg9[%scan3A_534, %swap3A_764, %swap3A_765] : memref<5x128x64xf32, #tpu.memory_space<vmem>> -> memref<1x128x64xf32, #tpu.memory_space<vmem>>
        %swap3A_767 = tpu.memref_squeeze %swap3A_766 : memref<1x128x64xf32, #tpu.memory_space<vmem>> -> memref<128x64xf32, #tpu.memory_space<vmem>>
        %swap3A_768 = arith.index_cast %scan3A_710 : i32 to index
        %swap3A_769 = arith.constant 32 : index
        %swap3A_770 = tpu.vector_load %swap3A_767[%swap3A_768, %swap3A_769] {strides = array<i32>} : memref<128x64xf32, #tpu.memory_space<vmem>>, vector<1x16xf32>,
        %swap3A_771 = vector.shape_cast %swap3A_770 : vector<1x16xf32> to vector<16xf32>
        %swap3A_772 = vector.shape_cast %add3A_763 : vector<16xf32> to vector<1x16xf32>
        tpu.vector_store %swap3A_767[%swap3A_768, %swap3A_769], %swap3A_772 {strides = array<i32>} : memref<128x64xf32, #tpu.memory_space<vmem>>, vector<1x16xf32>,
        %get3A_773 = arith.constant 0 : i32
        %get3A_774 = arith.constant 0 : i32
        %get3A_775 = tpu.memref_slice %arg8[%scan3A_533, %get3A_773, %get3A_774] : memref<5x128x64xf32, #tpu.memory_space<vmem>> -> memref<1x128x64xf32, #tpu.memory_space<vmem>>
        %get3A_776 = tpu.memref_squeeze %get3A_775 : memref<1x128x64xf32, #tpu.memory_space<vmem>> -> memref<128x64xf32, #tpu.memory_space<vmem>>
        %get3A_777 = arith.index_cast %scan3A_710 : i32 to index
        %get3A_778 = arith.constant 48 : index
        %get3A_779 = tpu.vector_load %get3A_776[%get3A_777, %get3A_778] {strides = array<i32>} : memref<128x64xf32, #tpu.memory_space<vmem>>, vector<1x16xf32>,
        %get3A_780 = vector.shape_cast %get3A_779 : vector<1x16xf32> to vector<16xf32>
        %mul3A_781 = arith.constant 8.000000e+00 : f32
        %mul3A_782 = vector.broadcast %mul3A_781 : f32 to vector<16xf32>
        %mul3A_783 = arith.mulf %get3A_780, %mul3A_782 : vector<16xf32>
        %add3A_784 = arith.addf %mul3A_783, %get3A_532 : vector<16xf32>
        %swap3A_785 = arith.constant 0 : i32
        %swap3A_786 = arith.constant 0 : i32
        %swap3A_787 = tpu.memref_slice %arg9[%scan3A_534, %swap3A_785, %swap3A_786] : memref<5x128x64xf32, #tpu.memory_space<vmem>> -> memref<1x128x64xf32, #tpu.memory_space<vmem>>
        %swap3A_788 = tpu.memref_squeeze %swap3A_787 : memref<1x128x64xf32, #tpu.memory_space<vmem>> -> memref<128x64xf32, #tpu.memory_space<vmem>>
        %swap3A_789 = arith.index_cast %scan3A_710 : i32 to index
        %swap3A_790 = arith.constant 48 : index
        %swap3A_791 = tpu.vector_load %swap3A_788[%swap3A_789, %swap3A_790] {strides = array<i32>} : memref<128x64xf32, #tpu.memory_space<vmem>>, vector<1x16xf32>,
        %swap3A_792 = vector.shape_cast %swap3A_791 : vector<1x16xf32> to vector<16xf32>
        %swap3A_793 = vector.shape_cast %add3A_784 : vector<16xf32> to vector<1x16xf32>
        tpu.vector_store %swap3A_788[%swap3A_789, %swap3A_790], %swap3A_793 {strides = array<i32>} : memref<128x64xf32, #tpu.memory_space<vmem>>, vector<1x16xf32>,
      }
      %scan3A_539 = arith.constant 128 : i32
      %add3A_540 = arith.addi %mul3A_32, %add3A_499 : i32
      %jit3A_541 = arith.constant 2 : i32
      %div3A_542 = arith.divsi %add3A_540, %jit3A_541 : i32
      %sign3A_543 = arith.constant 0 : i32
      %sign3A_544 = arith.cmpi sgt, %add3A_540, %sign3A_543 : i32
      %sign3A_545 = arith.extui %sign3A_544 : i1 to i32
      %sign3A_546 = arith.constant 0 : i32
      %sign3A_547 = arith.cmpi slt, %add3A_540, %sign3A_546 : i32
      %sign3A_548 = arith.extui %sign3A_547 : i1 to i32
      %sign3A_549 = arith.subi %sign3A_545, %sign3A_548 : i32
      %sign3A_550 = arith.constant 0 : i32
      %sign3A_551 = arith.cmpi sgt, %jit3A_541, %sign3A_550 : i32
      %sign3A_552 = arith.extui %sign3A_551 : i1 to i32
      %sign3A_553 = arith.constant 0 : i32
      %sign3A_554 = arith.cmpi slt, %jit3A_541, %sign3A_553 : i32
      %sign3A_555 = arith.extui %sign3A_554 : i1 to i32
      %sign3A_556 = arith.subi %sign3A_552, %sign3A_555 : i32
      %ne3A_557 = arith.cmpi ne, %sign3A_549, %sign3A_556 : i32
      %rem3A_558 = arith.remsi %add3A_540, %jit3A_541 : i32
      %ne3A_559 = arith.constant 0 : i32
      %ne3A_560 = arith.cmpi ne, %rem3A_558, %ne3A_559 : i32
      %and3A_561 = arith.andi %ne3A_557, %ne3A_560 : i1
      %sub3A_562 = arith.constant 1 : i32
      %sub3A_563 = arith.subi %div3A_542, %sub3A_562 : i32
      %select_n3A_564 = arith.select %and3A_561, %sub3A_563, %div3A_542 : i32
      %jit3A_565 = arith.constant 2 : i32
      %eq3A_566 = arith.constant 0 : i32
      %eq3A_567 = arith.cmpi eq, %jit3A_565, %eq3A_566 : i32
      %jit3A_568 = arith.constant 1 : i32
      %select_n3A_569 = arith.select %eq3A_567, %jit3A_568, %jit3A_565 : i32
      %rem3A_570 = arith.remsi %add3A_540, %select_n3A_569 : i32
      %ne3A_571 = arith.constant 0 : i32
      %ne3A_572 = arith.cmpi ne, %rem3A_570, %ne3A_571 : i32
      %lt3A_573 = arith.constant 0 : i32
      %lt3A_574 = arith.cmpi slt, %rem3A_570, %lt3A_573 : i32
      %lt3A_575 = arith.constant 0 : i32
      %lt3A_576 = arith.cmpi slt, %select_n3A_569, %lt3A_575 : i32
      %ne3A_577 = arith.xori %lt3A_574, %lt3A_576 : i1
      %and3A_578 = arith.andi %ne3A_577, %ne3A_572 : i1
      %add3A_579 = arith.addi %rem3A_570, %select_n3A_569 : i32
      %select_n3A_580 = arith.select %and3A_578, %add3A_579, %rem3A_570 : i32
      %mul3A_581 = arith.constant 64 : i32
      %mul3A_582 = arith.muli %select_n3A_580, %mul3A_581 : i32
      %dma_start3A_583 = arith.constant 3 : i32
      %dma_start3A_584 = arith.constant 0 : i32
      %dma_start3A_585 = arith.constant 0 : i32
      %dma_start3A_586 = tpu.memref_slice %arg9[%dma_start3A_583, %dma_start3A_584, %dma_start3A_585] : memref<5x128x64xf32, #tpu.memory_space<vmem>> -> memref<1x128x64xf32, #tpu.memory_space<vmem>>
      %dma_start3A_587 = tpu.memref_squeeze %dma_start3A_586 : memref<1x128x64xf32, #tpu.memory_space<vmem>> -> memref<128x64xf32, #tpu.memory_space<vmem>>
      %dma_start3A_588 = tpu.memref_slice %arg5[%mul3A_34, %select_n3A_564, %mul3A_582] : memref<1024x100x128xf32, #tpu.memory_space<hbm>> -> memref<128x1x64xf32, #tpu.memory_space<hbm>>
      %dma_start3A_589 = tpu.memref_squeeze %dma_start3A_588 : memref<128x1x64xf32, #tpu.memory_space<hbm>> -> memref<128x64xf32, #tpu.memory_space<hbm>>
      %dma_start3A_590 = tpu.memref_slice %arg5[%mul3A_34, %select_n3A_564, %mul3A_582] : memref<1024x100x128xf32, #tpu.memory_space<hbm>> -> memref<128x1x64xf32, #tpu.memory_space<hbm>>
      %dma_start3A_591 = tpu.memref_squeeze %dma_start3A_590 : memref<128x1x64xf32, #tpu.memory_space<hbm>> -> memref<128x64xf32, #tpu.memory_space<hbm>>
      %dma_start3A_592 = arith.constant 0 : i32
      %dma_start3A_593 = arith.constant 0 : i32
      %dma_start3A_594 = tpu.memref_slice %arg9[%dma_start3A_583, %dma_start3A_592, %dma_start3A_593] : memref<5x128x64xf32, #tpu.memory_space<vmem>> -> memref<1x128x64xf32, #tpu.memory_space<vmem>>
      %dma_start3A_595 = tpu.memref_squeeze %dma_start3A_594 : memref<1x128x64xf32, #tpu.memory_space<vmem>> -> memref<128x64xf32, #tpu.memory_space<vmem>>
      tpu.enqueue_dma source(%dma_start3A_595 : memref<128x64xf32, #tpu.memory_space<vmem>>) target(%dma_start3A_591 : memref<128x64xf32, #tpu.memory_space<hbm>>) target_semaphore(%arg11 : memref<!tpu.dma_semaphore, #tpu.memory_space<semaphore_mem>>)
      %add3A_596 = arith.constant 5 : i32
      %add3A_597 = arith.addi %add3A_499, %add3A_596 : i32
      %lt3A_598 = arith.constant 50 : i32
      %lt3A_599 = arith.cmpi slt, %add3A_597, %lt3A_598 : i32
      %convert_element_type3A_600 = arith.extui %lt3A_599 : i1 to i32
      %cond3A_601 = arith.constant 0 : i32
      %cond3A_602 = arith.cmpi ne, %convert_element_type3A_600, %cond3A_601 : i32
      scf.if %cond3A_602 {
        %add3A_710 = arith.constant 5 : i32
        %add3A_711 = arith.addi %add3A_499, %add3A_710 : i32
        %dma_start3A_712 = arith.constant 3 : i32
        %dma_start3A_713 = arith.constant 0 : i32
        %dma_start3A_714 = arith.constant 0 : i32
        %dma_start3A_715 = tpu.memref_slice %arg8[%dma_start3A_712, %dma_start3A_713, %dma_start3A_714] : memref<5x128x64xf32, #tpu.memory_space<vmem>> -> memref<1x128x64xf32, #tpu.memory_space<vmem>>
        %dma_start3A_716 = tpu.memref_squeeze %dma_start3A_715 : memref<1x128x64xf32, #tpu.memory_space<vmem>> -> memref<128x64xf32, #tpu.memory_space<vmem>>
        %dma_start3A_717 = arith.constant 0 : i32
        %dma_start3A_718 = tpu.memref_slice %arg6[%add3A_711, %dma_start3A_717] : memref<50x128xi32, #tpu.memory_space<vmem>> -> memref<1x128xi32, #tpu.memory_space<vmem>>
        %dma_start3A_719 = tpu.memref_squeeze %dma_start3A_718 : memref<1x128xi32, #tpu.memory_space<vmem>> -> memref<128xi32, #tpu.memory_space<vmem>>
        %dma_start3A_720 = arith.constant 0 : i32
        %dma_start3A_721 = arith.constant 0 : i32
        %dma_start3A_722 = tpu.memref_slice %arg4[%dma_start3A_720, %dma_start3A_721] : memref<1000000x64xf32, #tpu.memory_space<hbm>> -> memref<1000000x64xf32, #tpu.memory_space<hbm>>
        tpu.enqueue_indirect_dma source(%dma_start3A_722 : memref<1000000x64xf32, #tpu.memory_space<hbm>>) target(%dma_start3A_716 : memref<128x64xf32, #tpu.memory_space<vmem>>) offsets(%dma_start3A_719 : memref<128xi32, #tpu.memory_space<vmem>>) semaphore(%arg10 : memref<!tpu.dma_semaphore, #tpu.memory_space<semaphore_mem>>)
      } else {
      }
      %mul3A_603 = arith.constant 5 : i32
      %mul3A_604 = arith.muli %scan3A_178, %mul3A_603 : i32
      %add3A_605 = arith.constant 4 : i32
      %add3A_606 = arith.addi %mul3A_604, %add3A_605 : i32
      %dma_wait3A_607 = arith.constant 4 : i32
      %dma_wait3A_608 = arith.constant 0 : i32
      %dma_wait3A_609 = arith.constant 0 : i32
      %dma_wait3A_610 = tpu.memref_slice %arg8[%dma_wait3A_607, %dma_wait3A_608, %dma_wait3A_609] : memref<5x128x64xf32, #tpu.memory_space<vmem>> -> memref<1x128x64xf32, #tpu.memory_space<vmem>>
      %dma_wait3A_611 = tpu.memref_squeeze %dma_wait3A_610 : memref<1x128x64xf32, #tpu.memory_space<vmem>> -> memref<128x64xf32, #tpu.memory_space<vmem>>
      %dma_wait3A_612 = arith.constant 0 : i32
      %dma_wait3A_613 = tpu.memref_slice %arg6[%add3A_606, %dma_wait3A_612] : memref<50x128xi32, #tpu.memory_space<vmem>> -> memref<1x128xi32, #tpu.memory_space<vmem>>
      %dma_wait3A_614 = tpu.memref_squeeze %dma_wait3A_613 : memref<1x128xi32, #tpu.memory_space<vmem>> -> memref<128xi32, #tpu.memory_space<vmem>>
      %dma_wait3A_615 = arith.constant 0 : i32
      %dma_wait3A_616 = arith.constant 0 : i32
      %dma_wait3A_617 = tpu.memref_slice %arg4[%dma_wait3A_615, %dma_wait3A_616] : memref<1000000x64xf32, #tpu.memory_space<hbm>> -> memref<1000000x64xf32, #tpu.memory_space<hbm>>
      tpu.wait_indirect_dma semaphore(%arg10 : memref<!tpu.dma_semaphore, #tpu.memory_space<semaphore_mem>>) src(%dma_wait3A_617 : memref<1000000x64xf32, #tpu.memory_space<hbm>>) dst(%dma_wait3A_611 : memref<128x64xf32, #tpu.memory_space<vmem>>)
      %ge3A_618 = arith.constant 5 : i32
      %ge3A_619 = arith.cmpi sge, %add3A_606, %ge3A_618 : i32
      %convert_element_type3A_620 = arith.extui %ge3A_619 : i1 to i32
      %cond3A_621 = arith.constant 4 : i32
      %cond3A_622 = arith.constant 0 : i32
      %cond3A_623 = arith.cmpi ne, %convert_element_type3A_620, %cond3A_622 : i32
      scf.if %cond3A_623 {
        %dma_wait3A_710 = arith.constant 0 : i32
        %dma_wait3A_711 = arith.constant 0 : i32
        %dma_wait3A_712 = arith.constant 0 : i32
        %dma_wait3A_713 = tpu.memref_slice %arg9[%cond3A_621, %dma_wait3A_711, %dma_wait3A_712] : memref<5x128x64xf32, #tpu.memory_space<vmem>> -> memref<1x128x64xf32, #tpu.memory_space<vmem>>
        %dma_wait3A_714 = tpu.memref_squeeze %dma_wait3A_713 : memref<1x128x64xf32, #tpu.memory_space<vmem>> -> memref<128x64xf32, #tpu.memory_space<vmem>>
        %dma_wait3A_715 = arith.constant 0 : i32
        %dma_wait3A_716 = tpu.memref_slice %arg5[%mul3A_34, %dma_wait3A_710, %dma_wait3A_715] : memref<1024x100x128xf32, #tpu.memory_space<hbm>> -> memref<128x1x64xf32, #tpu.memory_space<hbm>>
        %dma_wait3A_717 = tpu.memref_squeeze %dma_wait3A_716 : memref<128x1x64xf32, #tpu.memory_space<hbm>> -> memref<128x64xf32, #tpu.memory_space<hbm>>
        %dma_wait3A_718 = arith.constant 0 : i32
        %dma_wait3A_719 = tpu.memref_slice %arg5[%mul3A_34, %dma_wait3A_710, %dma_wait3A_718] : memref<1024x100x128xf32, #tpu.memory_space<hbm>> -> memref<128x1x64xf32, #tpu.memory_space<hbm>>
        %dma_wait3A_720 = tpu.memref_squeeze %dma_wait3A_719 : memref<128x1x64xf32, #tpu.memory_space<hbm>> -> memref<128x64xf32, #tpu.memory_space<hbm>>
        %dma_wait3A_721 = arith.constant 0 : i32
        %dma_wait3A_722 = arith.constant 0 : i32
        %dma_wait3A_723 = tpu.memref_slice %arg9[%cond3A_621, %dma_wait3A_721, %dma_wait3A_722] : memref<5x128x64xf32, #tpu.memory_space<vmem>> -> memref<1x128x64xf32, #tpu.memory_space<vmem>>
        %dma_wait3A_724 = tpu.memref_squeeze %dma_wait3A_723 : memref<1x128x64xf32, #tpu.memory_space<vmem>> -> memref<128x64xf32, #tpu.memory_space<vmem>>
        tpu.wait_dma2 semaphore(%arg11 : memref<!tpu.dma_semaphore, #tpu.memory_space<semaphore_mem>>) src(%dma_wait3A_724 : memref<128x64xf32, #tpu.memory_space<vmem>>) dst(%dma_wait3A_720 : memref<128x64xf32, #tpu.memory_space<hbm>>)
      } else {
      }
      %get3A_624 = arith.index_cast %add3A_606 : i32 to index
      %get3A_625 = arith.constant 0 : index
      %get3A_626 = tpu.vector_load %arg7[%get3A_624, %get3A_625] {strides = array<i32>} : memref<50x64xf32, #tpu.memory_space<vmem>>, vector<1x16xf32>,
      %get3A_627 = vector.shape_cast %get3A_626 : vector<1x16xf32> to vector<16xf32>
      %get3A_628 = arith.index_cast %add3A_606 : i32 to index
      %get3A_629 = arith.constant 16 : index
      %get3A_630 = tpu.vector_load %arg7[%get3A_628, %get3A_629] {strides = array<i32>} : memref<50x64xf32, #tpu.memory_space<vmem>>, vector<1x16xf32>,
      %get3A_631 = vector.shape_cast %get3A_630 : vector<1x16xf32> to vector<16xf32>
      %get3A_632 = arith.index_cast %add3A_606 : i32 to index
      %get3A_633 = arith.constant 32 : index
      %get3A_634 = tpu.vector_load %arg7[%get3A_632, %get3A_633] {strides = array<i32>} : memref<50x64xf32, #tpu.memory_space<vmem>>, vector<1x16xf32>,
      %get3A_635 = vector.shape_cast %get3A_634 : vector<1x16xf32> to vector<16xf32>
      %get3A_636 = arith.index_cast %add3A_606 : i32 to index
      %get3A_637 = arith.constant 48 : index
      %get3A_638 = tpu.vector_load %arg7[%get3A_636, %get3A_637] {strides = array<i32>} : memref<50x64xf32, #tpu.memory_space<vmem>>, vector<1x16xf32>,
      %get3A_639 = vector.shape_cast %get3A_638 : vector<1x16xf32> to vector<16xf32>
      %scan3A_640 = arith.constant 4 : i32
      %scan3A_641 = arith.constant 4 : i32
      %scan3A_642 = arith.constant 0 : i32
      %scan3A_643 = arith.constant 128 : i32
      %scan3A_644 = arith.addi %scan3A_642, %scan3A_643 : i32
      %scan3A_645 = arith.constant 1 : i32
      scf.for %scan3A_710 = %scan3A_642 to %scan3A_644 step %scan3A_645  : i32 {
        %get3A_711 = arith.constant 0 : i32
        %get3A_712 = arith.constant 0 : i32
        %get3A_713 = tpu.memref_slice %arg8[%scan3A_640, %get3A_711, %get3A_712] : memref<5x128x64xf32, #tpu.memory_space<vmem>> -> memref<1x128x64xf32, #tpu.memory_space<vmem>>
        %get3A_714 = tpu.memref_squeeze %get3A_713 : memref<1x128x64xf32, #tpu.memory_space<vmem>> -> memref<128x64xf32, #tpu.memory_space<vmem>>
        %get3A_715 = arith.index_cast %scan3A_710 : i32 to index
        %get3A_716 = arith.constant 0 : index
        %get3A_717 = tpu.vector_load %get3A_714[%get3A_715, %get3A_716] {strides = array<i32>} : memref<128x64xf32, #tpu.memory_space<vmem>>, vector<1x16xf32>,
        %get3A_718 = vector.shape_cast %get3A_717 : vector<1x16xf32> to vector<16xf32>
        %mul3A_719 = arith.constant 8.000000e+00 : f32
        %mul3A_720 = vector.broadcast %mul3A_719 : f32 to vector<16xf32>
        %mul3A_721 = arith.mulf %get3A_718, %mul3A_720 : vector<16xf32>
        %add3A_722 = arith.addf %mul3A_721, %get3A_627 : vector<16xf32>
        %swap3A = arith.constant 0 : i32
        %swap3A_723 = arith.constant 0 : i32
        %swap3A_724 = tpu.memref_slice %arg9[%scan3A_641, %swap3A, %swap3A_723] : memref<5x128x64xf32, #tpu.memory_space<vmem>> -> memref<1x128x64xf32, #tpu.memory_space<vmem>>
        %swap3A_725 = tpu.memref_squeeze %swap3A_724 : memref<1x128x64xf32, #tpu.memory_space<vmem>> -> memref<128x64xf32, #tpu.memory_space<vmem>>
        %swap3A_726 = arith.index_cast %scan3A_710 : i32 to index
        %swap3A_727 = arith.constant 0 : index
        %swap3A_728 = tpu.vector_load %swap3A_725[%swap3A_726, %swap3A_727] {strides = array<i32>} : memref<128x64xf32, #tpu.memory_space<vmem>>, vector<1x16xf32>,
        %swap3A_729 = vector.shape_cast %swap3A_728 : vector<1x16xf32> to vector<16xf32>
        %swap3A_730 = vector.shape_cast %add3A_722 : vector<16xf32> to vector<1x16xf32>
        tpu.vector_store %swap3A_725[%swap3A_726, %swap3A_727], %swap3A_730 {strides = array<i32>} : memref<128x64xf32, #tpu.memory_space<vmem>>, vector<1x16xf32>,
        %get3A_731 = arith.constant 0 : i32
        %get3A_732 = arith.constant 0 : i32
        %get3A_733 = tpu.memref_slice %arg8[%scan3A_640, %get3A_731, %get3A_732] : memref<5x128x64xf32, #tpu.memory_space<vmem>> -> memref<1x128x64xf32, #tpu.memory_space<vmem>>
        %get3A_734 = tpu.memref_squeeze %get3A_733 : memref<1x128x64xf32, #tpu.memory_space<vmem>> -> memref<128x64xf32, #tpu.memory_space<vmem>>
        %get3A_735 = arith.index_cast %scan3A_710 : i32 to index
        %get3A_736 = arith.constant 16 : index
        %get3A_737 = tpu.vector_load %get3A_734[%get3A_735, %get3A_736] {strides = array<i32>} : memref<128x64xf32, #tpu.memory_space<vmem>>, vector<1x16xf32>,
        %get3A_738 = vector.shape_cast %get3A_737 : vector<1x16xf32> to vector<16xf32>
        %mul3A_739 = arith.constant 8.000000e+00 : f32
        %mul3A_740 = vector.broadcast %mul3A_739 : f32 to vector<16xf32>
        %mul3A_741 = arith.mulf %get3A_738, %mul3A_740 : vector<16xf32>
        %add3A_742 = arith.addf %mul3A_741, %get3A_631 : vector<16xf32>
        %swap3A_743 = arith.constant 0 : i32
        %swap3A_744 = arith.constant 0 : i32
        %swap3A_745 = tpu.memref_slice %arg9[%scan3A_641, %swap3A_743, %swap3A_744] : memref<5x128x64xf32, #tpu.memory_space<vmem>> -> memref<1x128x64xf32, #tpu.memory_space<vmem>>
        %swap3A_746 = tpu.memref_squeeze %swap3A_745 : memref<1x128x64xf32, #tpu.memory_space<vmem>> -> memref<128x64xf32, #tpu.memory_space<vmem>>
        %swap3A_747 = arith.index_cast %scan3A_710 : i32 to index
        %swap3A_748 = arith.constant 16 : index
        %swap3A_749 = tpu.vector_load %swap3A_746[%swap3A_747, %swap3A_748] {strides = array<i32>} : memref<128x64xf32, #tpu.memory_space<vmem>>, vector<1x16xf32>,
        %swap3A_750 = vector.shape_cast %swap3A_749 : vector<1x16xf32> to vector<16xf32>
        %swap3A_751 = vector.shape_cast %add3A_742 : vector<16xf32> to vector<1x16xf32>
        tpu.vector_store %swap3A_746[%swap3A_747, %swap3A_748], %swap3A_751 {strides = array<i32>} : memref<128x64xf32, #tpu.memory_space<vmem>>, vector<1x16xf32>,
        %get3A_752 = arith.constant 0 : i32
        %get3A_753 = arith.constant 0 : i32
        %get3A_754 = tpu.memref_slice %arg8[%scan3A_640, %get3A_752, %get3A_753] : memref<5x128x64xf32, #tpu.memory_space<vmem>> -> memref<1x128x64xf32, #tpu.memory_space<vmem>>
        %get3A_755 = tpu.memref_squeeze %get3A_754 : memref<1x128x64xf32, #tpu.memory_space<vmem>> -> memref<128x64xf32, #tpu.memory_space<vmem>>
        %get3A_756 = arith.index_cast %scan3A_710 : i32 to index
        %get3A_757 = arith.constant 32 : index
        %get3A_758 = tpu.vector_load %get3A_755[%get3A_756, %get3A_757] {strides = array<i32>} : memref<128x64xf32, #tpu.memory_space<vmem>>, vector<1x16xf32>,
        %get3A_759 = vector.shape_cast %get3A_758 : vector<1x16xf32> to vector<16xf32>
        %mul3A_760 = arith.constant 8.000000e+00 : f32
        %mul3A_761 = vector.broadcast %mul3A_760 : f32 to vector<16xf32>
        %mul3A_762 = arith.mulf %get3A_759, %mul3A_761 : vector<16xf32>
        %add3A_763 = arith.addf %mul3A_762, %get3A_635 : vector<16xf32>
        %swap3A_764 = arith.constant 0 : i32
        %swap3A_765 = arith.constant 0 : i32
        %swap3A_766 = tpu.memref_slice %arg9[%scan3A_641, %swap3A_764, %swap3A_765] : memref<5x128x64xf32, #tpu.memory_space<vmem>> -> memref<1x128x64xf32, #tpu.memory_space<vmem>>
        %swap3A_767 = tpu.memref_squeeze %swap3A_766 : memref<1x128x64xf32, #tpu.memory_space<vmem>> -> memref<128x64xf32, #tpu.memory_space<vmem>>
        %swap3A_768 = arith.index_cast %scan3A_710 : i32 to index
        %swap3A_769 = arith.constant 32 : index
        %swap3A_770 = tpu.vector_load %swap3A_767[%swap3A_768, %swap3A_769] {strides = array<i32>} : memref<128x64xf32, #tpu.memory_space<vmem>>, vector<1x16xf32>,
        %swap3A_771 = vector.shape_cast %swap3A_770 : vector<1x16xf32> to vector<16xf32>
        %swap3A_772 = vector.shape_cast %add3A_763 : vector<16xf32> to vector<1x16xf32>
        tpu.vector_store %swap3A_767[%swap3A_768, %swap3A_769], %swap3A_772 {strides = array<i32>} : memref<128x64xf32, #tpu.memory_space<vmem>>, vector<1x16xf32>,
        %get3A_773 = arith.constant 0 : i32
        %get3A_774 = arith.constant 0 : i32
        %get3A_775 = tpu.memref_slice %arg8[%scan3A_640, %get3A_773, %get3A_774] : memref<5x128x64xf32, #tpu.memory_space<vmem>> -> memref<1x128x64xf32, #tpu.memory_space<vmem>>
        %get3A_776 = tpu.memref_squeeze %get3A_775 : memref<1x128x64xf32, #tpu.memory_space<vmem>> -> memref<128x64xf32, #tpu.memory_space<vmem>>
        %get3A_777 = arith.index_cast %scan3A_710 : i32 to index
        %get3A_778 = arith.constant 48 : index
        %get3A_779 = tpu.vector_load %get3A_776[%get3A_777, %get3A_778] {strides = array<i32>} : memref<128x64xf32, #tpu.memory_space<vmem>>, vector<1x16xf32>,
        %get3A_780 = vector.shape_cast %get3A_779 : vector<1x16xf32> to vector<16xf32>
        %mul3A_781 = arith.constant 8.000000e+00 : f32
        %mul3A_782 = vector.broadcast %mul3A_781 : f32 to vector<16xf32>
        %mul3A_783 = arith.mulf %get3A_780, %mul3A_782 : vector<16xf32>
        %add3A_784 = arith.addf %mul3A_783, %get3A_639 : vector<16xf32>
        %swap3A_785 = arith.constant 0 : i32
        %swap3A_786 = arith.constant 0 : i32
        %swap3A_787 = tpu.memref_slice %arg9[%scan3A_641, %swap3A_785, %swap3A_786] : memref<5x128x64xf32, #tpu.memory_space<vmem>> -> memref<1x128x64xf32, #tpu.memory_space<vmem>>
        %swap3A_788 = tpu.memref_squeeze %swap3A_787 : memref<1x128x64xf32, #tpu.memory_space<vmem>> -> memref<128x64xf32, #tpu.memory_space<vmem>>
        %swap3A_789 = arith.index_cast %scan3A_710 : i32 to index
        %swap3A_790 = arith.constant 48 : index
        %swap3A_791 = tpu.vector_load %swap3A_788[%swap3A_789, %swap3A_790] {strides = array<i32>} : memref<128x64xf32, #tpu.memory_space<vmem>>, vector<1x16xf32>,
        %swap3A_792 = vector.shape_cast %swap3A_791 : vector<1x16xf32> to vector<16xf32>
        %swap3A_793 = vector.shape_cast %add3A_784 : vector<16xf32> to vector<1x16xf32>
        tpu.vector_store %swap3A_788[%swap3A_789, %swap3A_790], %swap3A_793 {strides = array<i32>} : memref<128x64xf32, #tpu.memory_space<vmem>>, vector<1x16xf32>,
      }
      %scan3A_646 = arith.constant 128 : i32
      %add3A_647 = arith.addi %mul3A_32, %add3A_606 : i32
      %jit3A_648 = arith.constant 2 : i32
      %div3A_649 = arith.divsi %add3A_647, %jit3A_648 : i32
      %sign3A_650 = arith.constant 0 : i32
      %sign3A_651 = arith.cmpi sgt, %add3A_647, %sign3A_650 : i32
      %sign3A_652 = arith.extui %sign3A_651 : i1 to i32
      %sign3A_653 = arith.constant 0 : i32
      %sign3A_654 = arith.cmpi slt, %add3A_647, %sign3A_653 : i32
      %sign3A_655 = arith.extui %sign3A_654 : i1 to i32
      %sign3A_656 = arith.subi %sign3A_652, %sign3A_655 : i32
      %sign3A_657 = arith.constant 0 : i32
      %sign3A_658 = arith.cmpi sgt, %jit3A_648, %sign3A_657 : i32
      %sign3A_659 = arith.extui %sign3A_658 : i1 to i32
      %sign3A_660 = arith.constant 0 : i32
      %sign3A_661 = arith.cmpi slt, %jit3A_648, %sign3A_660 : i32
      %sign3A_662 = arith.extui %sign3A_661 : i1 to i32
      %sign3A_663 = arith.subi %sign3A_659, %sign3A_662 : i32
      %ne3A_664 = arith.cmpi ne, %sign3A_656, %sign3A_663 : i32
      %rem3A_665 = arith.remsi %add3A_647, %jit3A_648 : i32
      %ne3A_666 = arith.constant 0 : i32
      %ne3A_667 = arith.cmpi ne, %rem3A_665, %ne3A_666 : i32
      %and3A_668 = arith.andi %ne3A_664, %ne3A_667 : i1
      %sub3A_669 = arith.constant 1 : i32
      %sub3A_670 = arith.subi %div3A_649, %sub3A_669 : i32
      %select_n3A_671 = arith.select %and3A_668, %sub3A_670, %div3A_649 : i32
      %jit3A_672 = arith.constant 2 : i32
      %eq3A_673 = arith.constant 0 : i32
      %eq3A_674 = arith.cmpi eq, %jit3A_672, %eq3A_673 : i32
      %jit3A_675 = arith.constant 1 : i32
      %select_n3A_676 = arith.select %eq3A_674, %jit3A_675, %jit3A_672 : i32
      %rem3A_677 = arith.remsi %add3A_647, %select_n3A_676 : i32
      %ne3A_678 = arith.constant 0 : i32
      %ne3A_679 = arith.cmpi ne, %rem3A_677, %ne3A_678 : i32
      %lt3A_680 = arith.constant 0 : i32
      %lt3A_681 = arith.cmpi slt, %rem3A_677, %lt3A_680 : i32
      %lt3A_682 = arith.constant 0 : i32
      %lt3A_683 = arith.cmpi slt, %select_n3A_676, %lt3A_682 : i32
      %ne3A_684 = arith.xori %lt3A_681, %lt3A_683 : i1
      %and3A_685 = arith.andi %ne3A_684, %ne3A_679 : i1
      %add3A_686 = arith.addi %rem3A_677, %select_n3A_676 : i32
      %select_n3A_687 = arith.select %and3A_685, %add3A_686, %rem3A_677 : i32
      %mul3A_688 = arith.constant 64 : i32
      %mul3A_689 = arith.muli %select_n3A_687, %mul3A_688 : i32
      %dma_start3A_690 = arith.constant 4 : i32
      %dma_start3A_691 = arith.constant 0 : i32
      %dma_start3A_692 = arith.constant 0 : i32
      %dma_start3A_693 = tpu.memref_slice %arg9[%dma_start3A_690, %dma_start3A_691, %dma_start3A_692] : memref<5x128x64xf32, #tpu.memory_space<vmem>> -> memref<1x128x64xf32, #tpu.memory_space<vmem>>
      %dma_start3A_694 = tpu.memref_squeeze %dma_start3A_693 : memref<1x128x64xf32, #tpu.memory_space<vmem>> -> memref<128x64xf32, #tpu.memory_space<vmem>>
      %dma_start3A_695 = tpu.memref_slice %arg5[%mul3A_34, %select_n3A_671, %mul3A_689] : memref<1024x100x128xf32, #tpu.memory_space<hbm>> -> memref<128x1x64xf32, #tpu.memory_space<hbm>>
      %dma_start3A_696 = tpu.memref_squeeze %dma_start3A_695 : memref<128x1x64xf32, #tpu.memory_space<hbm>> -> memref<128x64xf32, #tpu.memory_space<hbm>>
      %dma_start3A_697 = tpu.memref_slice %arg5[%mul3A_34, %select_n3A_671, %mul3A_689] : memref<1024x100x128xf32, #tpu.memory_space<hbm>> -> memref<128x1x64xf32, #tpu.memory_space<hbm>>
      %dma_start3A_698 = tpu.memref_squeeze %dma_start3A_697 : memref<128x1x64xf32, #tpu.memory_space<hbm>> -> memref<128x64xf32, #tpu.memory_space<hbm>>
      %dma_start3A_699 = arith.constant 0 : i32
      %dma_start3A_700 = arith.constant 0 : i32
      %dma_start3A_701 = tpu.memref_slice %arg9[%dma_start3A_690, %dma_start3A_699, %dma_start3A_700] : memref<5x128x64xf32, #tpu.memory_space<vmem>> -> memref<1x128x64xf32, #tpu.memory_space<vmem>>
      %dma_start3A_702 = tpu.memref_squeeze %dma_start3A_701 : memref<1x128x64xf32, #tpu.memory_space<vmem>> -> memref<128x64xf32, #tpu.memory_space<vmem>>
      tpu.enqueue_dma source(%dma_start3A_702 : memref<128x64xf32, #tpu.memory_space<vmem>>) target(%dma_start3A_698 : memref<128x64xf32, #tpu.memory_space<hbm>>) target_semaphore(%arg11 : memref<!tpu.dma_semaphore, #tpu.memory_space<semaphore_mem>>)
      %add3A_703 = arith.constant 5 : i32
      %add3A_704 = arith.addi %add3A_606, %add3A_703 : i32
      %lt3A_705 = arith.constant 50 : i32
      %lt3A_706 = arith.cmpi slt, %add3A_704, %lt3A_705 : i32
      %convert_element_type3A_707 = arith.extui %lt3A_706 : i1 to i32
      %cond3A_708 = arith.constant 0 : i32
      %cond3A_709 = arith.cmpi ne, %convert_element_type3A_707, %cond3A_708 : i32
      scf.if %cond3A_709 {
        %add3A_710 = arith.constant 5 : i32
        %add3A_711 = arith.addi %add3A_606, %add3A_710 : i32
        %dma_start3A_712 = arith.constant 4 : i32
        %dma_start3A_713 = arith.constant 0 : i32
        %dma_start3A_714 = arith.constant 0 : i32
        %dma_start3A_715 = tpu.memref_slice %arg8[%dma_start3A_712, %dma_start3A_713, %dma_start3A_714] : memref<5x128x64xf32, #tpu.memory_space<vmem>> -> memref<1x128x64xf32, #tpu.memory_space<vmem>>
        %dma_start3A_716 = tpu.memref_squeeze %dma_start3A_715 : memref<1x128x64xf32, #tpu.memory_space<vmem>> -> memref<128x64xf32, #tpu.memory_space<vmem>>
        %dma_start3A_717 = arith.constant 0 : i32
        %dma_start3A_718 = tpu.memref_slice %arg6[%add3A_711, %dma_start3A_717] : memref<50x128xi32, #tpu.memory_space<vmem>> -> memref<1x128xi32, #tpu.memory_space<vmem>>
        %dma_start3A_719 = tpu.memref_squeeze %dma_start3A_718 : memref<1x128xi32, #tpu.memory_space<vmem>> -> memref<128xi32, #tpu.memory_space<vmem>>
        %dma_start3A_720 = arith.constant 0 : i32
        %dma_start3A_721 = arith.constant 0 : i32
        %dma_start3A_722 = tpu.memref_slice %arg4[%dma_start3A_720, %dma_start3A_721] : memref<1000000x64xf32, #tpu.memory_space<hbm>> -> memref<1000000x64xf32, #tpu.memory_space<hbm>>
        tpu.enqueue_indirect_dma source(%dma_start3A_722 : memref<1000000x64xf32, #tpu.memory_space<hbm>>) target(%dma_start3A_716 : memref<128x64xf32, #tpu.memory_space<vmem>>) offsets(%dma_start3A_719 : memref<128xi32, #tpu.memory_space<vmem>>) semaphore(%arg10 : memref<!tpu.dma_semaphore, #tpu.memory_space<semaphore_mem>>)
      } else {
      }
    }
    %scan3A_98 = arith.constant 10 : i32
    %dma_wait3A = arith.constant 0 : i32
    %dma_wait3A_99 = arith.constant 0 : i32
    %dma_wait3A_100 = arith.constant 0 : i32
    %dma_wait3A_101 = arith.constant 0 : i32
    %dma_wait3A_102 = tpu.memref_slice %arg9[%dma_wait3A, %dma_wait3A_100, %dma_wait3A_101] : memref<5x128x64xf32, #tpu.memory_space<vmem>> -> memref<1x128x64xf32, #tpu.memory_space<vmem>>
    %dma_wait3A_103 = tpu.memref_squeeze %dma_wait3A_102 : memref<1x128x64xf32, #tpu.memory_space<vmem>> -> memref<128x64xf32, #tpu.memory_space<vmem>>
    %dma_wait3A_104 = arith.constant 0 : i32
    %dma_wait3A_105 = tpu.memref_slice %arg5[%mul3A_34, %dma_wait3A_99, %dma_wait3A_104] : memref<1024x100x128xf32, #tpu.memory_space<hbm>> -> memref<128x1x64xf32, #tpu.memory_space<hbm>>
    %dma_wait3A_106 = tpu.memref_squeeze %dma_wait3A_105 : memref<128x1x64xf32, #tpu.memory_space<hbm>> -> memref<128x64xf32, #tpu.memory_space<hbm>>
    %dma_wait3A_107 = arith.constant 0 : i32
    %dma_wait3A_108 = tpu.memref_slice %arg5[%mul3A_34, %dma_wait3A_99, %dma_wait3A_107] : memref<1024x100x128xf32, #tpu.memory_space<hbm>> -> memref<128x1x64xf32, #tpu.memory_space<hbm>>
    %dma_wait3A_109 = tpu.memref_squeeze %dma_wait3A_108 : memref<128x1x64xf32, #tpu.memory_space<hbm>> -> memref<128x64xf32, #tpu.memory_space<hbm>>
    %dma_wait3A_110 = arith.constant 0 : i32
    %dma_wait3A_111 = arith.constant 0 : i32
    %dma_wait3A_112 = tpu.memref_slice %arg9[%dma_wait3A, %dma_wait3A_110, %dma_wait3A_111] : memref<5x128x64xf32, #tpu.memory_space<vmem>> -> memref<1x128x64xf32, #tpu.memory_space<vmem>>
    %dma_wait3A_113 = tpu.memref_squeeze %dma_wait3A_112 : memref<1x128x64xf32, #tpu.memory_space<vmem>> -> memref<128x64xf32, #tpu.memory_space<vmem>>
    tpu.wait_dma2 semaphore(%arg11 : memref<!tpu.dma_semaphore, #tpu.memory_space<semaphore_mem>>) src(%dma_wait3A_113 : memref<128x64xf32, #tpu.memory_space<vmem>>) dst(%dma_wait3A_109 : memref<128x64xf32, #tpu.memory_space<hbm>>)
    %dma_wait3A_114 = arith.constant 1 : i32
    %dma_wait3A_115 = arith.constant 0 : i32
    %dma_wait3A_116 = arith.constant 0 : i32
    %dma_wait3A_117 = arith.constant 0 : i32
    %dma_wait3A_118 = tpu.memref_slice %arg9[%dma_wait3A_114, %dma_wait3A_116, %dma_wait3A_117] : memref<5x128x64xf32, #tpu.memory_space<vmem>> -> memref<1x128x64xf32, #tpu.memory_space<vmem>>
    %dma_wait3A_119 = tpu.memref_squeeze %dma_wait3A_118 : memref<1x128x64xf32, #tpu.memory_space<vmem>> -> memref<128x64xf32, #tpu.memory_space<vmem>>
    %dma_wait3A_120 = arith.constant 0 : i32
    %dma_wait3A_121 = tpu.memref_slice %arg5[%mul3A_34, %dma_wait3A_115, %dma_wait3A_120] : memref<1024x100x128xf32, #tpu.memory_space<hbm>> -> memref<128x1x64xf32, #tpu.memory_space<hbm>>
    %dma_wait3A_122 = tpu.memref_squeeze %dma_wait3A_121 : memref<128x1x64xf32, #tpu.memory_space<hbm>> -> memref<128x64xf32, #tpu.memory_space<hbm>>
    %dma_wait3A_123 = arith.constant 0 : i32
    %dma_wait3A_124 = tpu.memref_slice %arg5[%mul3A_34, %dma_wait3A_115, %dma_wait3A_123] : memref<1024x100x128xf32, #tpu.memory_space<hbm>> -> memref<128x1x64xf32, #tpu.memory_space<hbm>>
    %dma_wait3A_125 = tpu.memref_squeeze %dma_wait3A_124 : memref<128x1x64xf32, #tpu.memory_space<hbm>> -> memref<128x64xf32, #tpu.memory_space<hbm>>
    %dma_wait3A_126 = arith.constant 0 : i32
    %dma_wait3A_127 = arith.constant 0 : i32
    %dma_wait3A_128 = tpu.memref_slice %arg9[%dma_wait3A_114, %dma_wait3A_126, %dma_wait3A_127] : memref<5x128x64xf32, #tpu.memory_space<vmem>> -> memref<1x128x64xf32, #tpu.memory_space<vmem>>
    %dma_wait3A_129 = tpu.memref_squeeze %dma_wait3A_128 : memref<1x128x64xf32, #tpu.memory_space<vmem>> -> memref<128x64xf32, #tpu.memory_space<vmem>>
    tpu.wait_dma2 semaphore(%arg11 : memref<!tpu.dma_semaphore, #tpu.memory_space<semaphore_mem>>) src(%dma_wait3A_129 : memref<128x64xf32, #tpu.memory_space<vmem>>) dst(%dma_wait3A_125 : memref<128x64xf32, #tpu.memory_space<hbm>>)
    %dma_wait3A_130 = arith.constant 2 : i32
    %dma_wait3A_131 = arith.constant 0 : i32
    %dma_wait3A_132 = arith.constant 0 : i32
    %dma_wait3A_133 = arith.constant 0 : i32
    %dma_wait3A_134 = tpu.memref_slice %arg9[%dma_wait3A_130, %dma_wait3A_132, %dma_wait3A_133] : memref<5x128x64xf32, #tpu.memory_space<vmem>> -> memref<1x128x64xf32, #tpu.memory_space<vmem>>
    %dma_wait3A_135 = tpu.memref_squeeze %dma_wait3A_134 : memref<1x128x64xf32, #tpu.memory_space<vmem>> -> memref<128x64xf32, #tpu.memory_space<vmem>>
    %dma_wait3A_136 = arith.constant 0 : i32
    %dma_wait3A_137 = tpu.memref_slice %arg5[%mul3A_34, %dma_wait3A_131, %dma_wait3A_136] : memref<1024x100x128xf32, #tpu.memory_space<hbm>> -> memref<128x1x64xf32, #tpu.memory_space<hbm>>
    %dma_wait3A_138 = tpu.memref_squeeze %dma_wait3A_137 : memref<128x1x64xf32, #tpu.memory_space<hbm>> -> memref<128x64xf32, #tpu.memory_space<hbm>>
    %dma_wait3A_139 = arith.constant 0 : i32
    %dma_wait3A_140 = tpu.memref_slice %arg5[%mul3A_34, %dma_wait3A_131, %dma_wait3A_139] : memref<1024x100x128xf32, #tpu.memory_space<hbm>> -> memref<128x1x64xf32, #tpu.memory_space<hbm>>
    %dma_wait3A_141 = tpu.memref_squeeze %dma_wait3A_140 : memref<128x1x64xf32, #tpu.memory_space<hbm>> -> memref<128x64xf32, #tpu.memory_space<hbm>>
    %dma_wait3A_142 = arith.constant 0 : i32
    %dma_wait3A_143 = arith.constant 0 : i32
    %dma_wait3A_144 = tpu.memref_slice %arg9[%dma_wait3A_130, %dma_wait3A_142, %dma_wait3A_143] : memref<5x128x64xf32, #tpu.memory_space<vmem>> -> memref<1x128x64xf32, #tpu.memory_space<vmem>>
    %dma_wait3A_145 = tpu.memref_squeeze %dma_wait3A_144 : memref<1x128x64xf32, #tpu.memory_space<vmem>> -> memref<128x64xf32, #tpu.memory_space<vmem>>
    tpu.wait_dma2 semaphore(%arg11 : memref<!tpu.dma_semaphore, #tpu.memory_space<semaphore_mem>>) src(%dma_wait3A_145 : memref<128x64xf32, #tpu.memory_space<vmem>>) dst(%dma_wait3A_141 : memref<128x64xf32, #tpu.memory_space<hbm>>)
    %dma_wait3A_146 = arith.constant 3 : i32
    %dma_wait3A_147 = arith.constant 0 : i32
    %dma_wait3A_148 = arith.constant 0 : i32
    %dma_wait3A_149 = arith.constant 0 : i32
    %dma_wait3A_150 = tpu.memref_slice %arg9[%dma_wait3A_146, %dma_wait3A_148, %dma_wait3A_149] : memref<5x128x64xf32, #tpu.memory_space<vmem>> -> memref<1x128x64xf32, #tpu.memory_space<vmem>>
    %dma_wait3A_151 = tpu.memref_squeeze %dma_wait3A_150 : memref<1x128x64xf32, #tpu.memory_space<vmem>> -> memref<128x64xf32, #tpu.memory_space<vmem>>
    %dma_wait3A_152 = arith.constant 0 : i32
    %dma_wait3A_153 = tpu.memref_slice %arg5[%mul3A_34, %dma_wait3A_147, %dma_wait3A_152] : memref<1024x100x128xf32, #tpu.memory_space<hbm>> -> memref<128x1x64xf32, #tpu.memory_space<hbm>>
    %dma_wait3A_154 = tpu.memref_squeeze %dma_wait3A_153 : memref<128x1x64xf32, #tpu.memory_space<hbm>> -> memref<128x64xf32, #tpu.memory_space<hbm>>
    %dma_wait3A_155 = arith.constant 0 : i32
    %dma_wait3A_156 = tpu.memref_slice %arg5[%mul3A_34, %dma_wait3A_147, %dma_wait3A_155] : memref<1024x100x128xf32, #tpu.memory_space<hbm>> -> memref<128x1x64xf32, #tpu.memory_space<hbm>>
    %dma_wait3A_157 = tpu.memref_squeeze %dma_wait3A_156 : memref<128x1x64xf32, #tpu.memory_space<hbm>> -> memref<128x64xf32, #tpu.memory_space<hbm>>
    %dma_wait3A_158 = arith.constant 0 : i32
    %dma_wait3A_159 = arith.constant 0 : i32
    %dma_wait3A_160 = tpu.memref_slice %arg9[%dma_wait3A_146, %dma_wait3A_158, %dma_wait3A_159] : memref<5x128x64xf32, #tpu.memory_space<vmem>> -> memref<1x128x64xf32, #tpu.memory_space<vmem>>
    %dma_wait3A_161 = tpu.memref_squeeze %dma_wait3A_160 : memref<1x128x64xf32, #tpu.memory_space<vmem>> -> memref<128x64xf32, #tpu.memory_space<vmem>>
    tpu.wait_dma2 semaphore(%arg11 : memref<!tpu.dma_semaphore, #tpu.memory_space<semaphore_mem>>) src(%dma_wait3A_161 : memref<128x64xf32, #tpu.memory_space<vmem>>) dst(%dma_wait3A_157 : memref<128x64xf32, #tpu.memory_space<hbm>>)
    %dma_wait3A_162 = arith.constant 4 : i32
    %dma_wait3A_163 = arith.constant 0 : i32
    %dma_wait3A_164 = arith.constant 0 : i32
    %dma_wait3A_165 = arith.constant 0 : i32
    %dma_wait3A_166 = tpu.memref_slice %arg9[%dma_wait3A_162, %dma_wait3A_164, %dma_wait3A_165] : memref<5x128x64xf32, #tpu.memory_space<vmem>> -> memref<1x128x64xf32, #tpu.memory_space<vmem>>
    %dma_wait3A_167 = tpu.memref_squeeze %dma_wait3A_166 : memref<1x128x64xf32, #tpu.memory_space<vmem>> -> memref<128x64xf32, #tpu.memory_space<vmem>>
    %dma_wait3A_168 = arith.constant 0 : i32
    %dma_wait3A_169 = tpu.memref_slice %arg5[%mul3A_34, %dma_wait3A_163, %dma_wait3A_168] : memref<1024x100x128xf32, #tpu.memory_space<hbm>> -> memref<128x1x64xf32, #tpu.memory_space<hbm>>
    %dma_wait3A_170 = tpu.memref_squeeze %dma_wait3A_169 : memref<128x1x64xf32, #tpu.memory_space<hbm>> -> memref<128x64xf32, #tpu.memory_space<hbm>>
    %dma_wait3A_171 = arith.constant 0 : i32
    %dma_wait3A_172 = tpu.memref_slice %arg5[%mul3A_34, %dma_wait3A_163, %dma_wait3A_171] : memref<1024x100x128xf32, #tpu.memory_space<hbm>> -> memref<128x1x64xf32, #tpu.memory_space<hbm>>
    %dma_wait3A_173 = tpu.memref_squeeze %dma_wait3A_172 : memref<128x1x64xf32, #tpu.memory_space<hbm>> -> memref<128x64xf32, #tpu.memory_space<hbm>>
    %dma_wait3A_174 = arith.constant 0 : i32
    %dma_wait3A_175 = arith.constant 0 : i32
    %dma_wait3A_176 = tpu.memref_slice %arg9[%dma_wait3A_162, %dma_wait3A_174, %dma_wait3A_175] : memref<5x128x64xf32, #tpu.memory_space<vmem>> -> memref<1x128x64xf32, #tpu.memory_space<vmem>>
    %dma_wait3A_177 = tpu.memref_squeeze %dma_wait3A_176 : memref<1x128x64xf32, #tpu.memory_space<vmem>> -> memref<128x64xf32, #tpu.memory_space<vmem>>
    tpu.wait_dma2 semaphore(%arg11 : memref<!tpu.dma_semaphore, #tpu.memory_space<semaphore_mem>>) src(%dma_wait3A_177 : memref<128x64xf32, #tpu.memory_space<vmem>>) dst(%dma_wait3A_173 : memref<128x64xf32, #tpu.memory_space<hbm>>)
    return
  }
}

</mosaic_0001>

<sc_bundles>
// kernel: kernel.3.cloned.1.call-start
scs
__scs_entry_jumppad:
0x0: {  	(pc) =	sbr.rel $0x88, $3  }
0x1: {  	(tag) =	ssettag $0x0;
	lr =	simm.s32 $0x1  }
0x2: {  	[smem:$0x3F9F] =	sst lr;
	_ =	strace $0xD0000000  }
0x3: {  	_ = 	snop  }
0x4: {  	_ = 	snop  }
0x5: {  	_ = 	snop  }
0x6: {  	_ = 	snop  }
0x7: {  	_ = 	snop  }
__scs_overlays_trampoline_lowered:
0x8: {  	[smem:$0x3FAE] =	sst s0  }
0x9: {  	[smem:$0x3FAF] =	sst s1  }
0xa: {  	[smem:$0x3FB0] =	sst s2  }
0xb: {  	[smem:$0x3FB1] =	sst s3  }
0xc: {  	[smem:$0x3FB2] =	sst s4  }
0xd: {  	[smem:$0x3FB3] =	sst s5  }
0xe: {  	[smem:$0x3FB4] =	sst s6  }
0xf: {  	[smem:$0x3FB5] =	sst s7  }
0x10: {  	[smem:$0x3FB6] =	sst s8  }
0x11: {  	[smem:$0x3FB7] =	sst s9;
	s0 =	simm.s32 @!p0 $0x0  }
0x12: {  	s1 =	sld [smem:$0x3F9D];
	s0 =	simm.s32 @p0 $0x1  }
0x13: {  	[smem:$0x3FB8] =	sst s0;
	s0 =	simm.s32 @!p1 $0x0  }
0x14: {  	s2 =	sld [smem:$0x3F9C];
	s0 =	simm.s32 @p1 $0x1  }
0x15: {  	[smem:$0x3FB9] =	sst s0;
	s0 =	simm.s32 @!p2 $0x0  }
0x16: {  	s3 =	sld [smem:$0x3FDB];
	s0 =	simm.s32 @p2 $0x1  }
0x17: {  	s4 =	simm.s32 $0x1BF5;
	[smem:$0x3FBB] =	sst s0  }
0x18: {  	s0 =	sld [smem:$0x3F9E];
	_ =	swait.ge [sflag:s4], $0x0  }
0x19: {  	s7 =	sld [smem:$0x3F9F]  }
0x1a: {  	s8 =	sadd.s32 $0xFFFFE003, lr  }
0x1b: {  	s9 =	sadd.s32 $0xFFFFFEF7, lr;
	s5 =	simm.s32 $0xFFFFFFFF;
	p2 =	slt.u32 s8, $0xFFFFF086  }
0x1c: {  	p1 =	slt.u32 s9, $0xF7A;
	s5 =	simm.s32 @!p2 $0x0  }
0x1d: {  	s5 =	simm.s32 @p1 $0x1;
	p0 =	seq.s32 s7, s2  }
0x1e: {  	s7 =	smul.u32 @!p0 $0xF7A, s2;
	p2 =	seq.s32 @!p0 s5, $0x0  }
0x1f: {  	s9 =	smul.u32 $0xF7A, s1;
	s8 =	simm.s32 @!p0 $0x1BF5;
	p2 =	por !p2, p0  }
0x20: {  	[sflag:s8] =	ssyncset.s32 @!p0 $0xFFFFF086;
	s6 =	sadd.s32 @!p0 s3, s7;
	s7 =	simm.s32 @!p0 $0x108  }
0x21: {  	s3 =	sadd.s32 s3, s9;
	s6 =	sadd.s32 @!p0 $0x88, s6;
	s7 =	simm.s32 @p2 $0x1082  }
0x22: {  	[simem:s7], [sflag:s8] =	dma.local @!p0 [hbm:s6], $0xF7A  }
0x23: {  	s9 =	sor.u32 $0xD0000000, s2;
	s6 =	simm.s32 $0x108;
	_ =	swait.ge @!p0 [sflag:s8], $0x0  }
0x24: {  	s3 =	sadd.s32 $0x88, s3;
	s6 =	simm.s32 @!p1 $0x1082;
	[sflag:s4] =	ssyncset.s32 $0xFFFFF086  }
0x25: {  	[simem:s6], [sflag:s4] =	dma.local [hbm:s3], $0xF7A  }
0x26: {  	[smem:$0x3F9F] =	sst s1;
	(tag) =	ssettag s2;
	_ =	strace s9  }
0x27: {  	s1 =	sld [smem:$0x3FAF]  }
0x28: {  	s2 =	sld [smem:$0x3FB0]  }
0x29: {  	s4 =	sld [smem:$0x3FB2]  }
0x2a: {  	p0 =	seq.s32 s5, $0x0;
	s5 =	sld [smem:$0x3FB3]  }
0x2b: {  	s6 =	sld [smem:$0x3FB4]  }
0x2c: {  	s7 =	sld [smem:$0x3FB5]  }
0x2d: {  	s3 =	simm.s32 $0x108;
	s8 =	sld [smem:$0x3FB6]  }
0x2e: {  	s3 =	simm.s32 @!p0 $0x1082;
	s9 =	sld [smem:$0x3FB7]  }
0x2f: {  	lr =	sadd.s32 s0, s3;
	s0 =	sld [smem:$0x3FAE]  }
0x30: {  	s3 =	sld [smem:$0x3FB1]  }
0x31: {  	[smem:$0x3FBA] =	sst s10  }
0x32: {  	s10 =	sld [smem:$0x3FB8];
	_ =	sdelay $0x3  }
0x33: {  	p0 =	seq.s32 s10, $0x1;
	s10 =	sld [smem:$0x3FBA];
	_ =	sdelay $0x3  }
0x34: {  	[smem:$0x3FBA] =	sst s10  }
0x35: {  	s10 =	sld [smem:$0x3FB9];
	_ =	sdelay $0x3  }
0x36: {  	p1 =	seq.s32 s10, $0x1;
	s10 =	sld [smem:$0x3FBA];
	_ =	sdelay $0x3  }
0x37: {  	[smem:$0x3FBA] =	sst s10  }
0x38: {  	s10 =	sld [smem:$0x3FBB]  }
0x39: {  	_ = 	snop;
	(pc) =	sbr.ind lr, $3  }
0x3a: {  	_ = 	snop  }
0x3b: {  	_ = 	snop  }
0x3c: {  	p2 =	seq.s32 s10, $0x1;
	s10 =	sld [smem:$0x3FBA]  }
0x3d: {  	_ =	shalt  }
0x3e: {  	_ =	shalt  }
0x3f: {  	_ =	shalt  }
0x40: {  	_ =	shalt  }
0x41: {  	_ =	shalt  }
0x42: {  	_ =	shalt  }
0x43: {  	_ =	shalt  }
0x44: {  	_ =	shalt  }
0x45: {  	_ =	shalt  }
0x46: {  	_ =	shalt  }
0x47: {  	_ =	shalt  }
0x48: {  	_ =	shalt  }
0x49: {  	_ =	shalt  }
0x4a: {  	_ =	shalt  }
0x4b: {  	_ =	shalt  }
0x4c: {  	_ =	shalt  }
0x4d: {  	_ =	shalt  }
0x4e: {  	_ =	shalt  }
0x4f: {  	_ =	shalt  }
0x50: {  	_ =	shalt  }
0x51: {  	_ =	shalt  }
0x52: {  	_ =	shalt  }
0x53: {  	_ =	shalt  }
0x54: {  	_ =	shalt  }
0x55: {  	_ =	shalt  }
0x56: {  	_ =	shalt  }
0x57: {  	_ =	shalt  }
0x58: {  	_ =	shalt  }
0x59: {  	_ =	shalt  }
0x5a: {  	_ =	shalt  }
0x5b: {  	_ =	shalt  }
0x5c: {  	_ =	shalt  }
0x5d: {  	_ =	shalt  }
0x5e: {  	_ =	shalt  }
0x5f: {  	_ =	shalt  }
0x60: {  	_ =	shalt  }
0x61: {  	_ =	shalt  }
0x62: {  	_ =	shalt  }
0x63: {  	_ =	shalt  }
0x64: {  	_ =	shalt  }
0x65: {  	_ =	shalt  }
0x66: {  	_ =	shalt  }
0x67: {  	_ =	shalt  }
0x68: {  	_ =	shalt  }
0x69: {  	_ =	shalt  }
0x6a: {  	_ =	shalt  }
0x6b: {  	_ =	shalt  }
0x6c: {  	_ =	shalt  }
0x6d: {  	_ =	shalt  }
0x6e: {  	_ =	shalt  }
0x6f: {  	_ =	shalt  }
0x70: {  	_ =	shalt  }
0x71: {  	_ =	shalt  }
0x72: {  	_ =	shalt  }
0x73: {  	_ =	shalt  }
0x74: {  	_ =	shalt  }
0x75: {  	_ =	shalt  }
0x76: {  	_ =	shalt  }
0x77: {  	_ =	shalt  }
0x78: {  	_ =	shalt  }
0x79: {  	_ =	shalt  }
0x7a: {  	_ =	shalt  }
0x7b: {  	_ =	shalt  }
0x7c: {  	_ =	shalt  }
0x7d: {  	_ =	shalt  }
0x7e: {  	_ =	shalt  }
0x7f: {  	_ =	shalt  }
0x80: {  	_ =	shalt  }
0x81: {  	_ =	shalt  }
0x82: {  	_ =	shalt  }
0x83: {  	_ =	shalt  }
0x84: {  	_ =	shalt  }
0x85: {  	_ =	shalt  }
0x86: {  	_ =	shalt  }
0x87: {  	_ =	shalt  }
.Lfunc_end0:
.L_simem_size_0:
called_computation.1_lowered:
.L_overlay_start_0:
0x88: {  	s2 =	sld [smem:$0x3FD9]  }
0x89: {  	s3 =	sld [smem:$0x3FFE];
	_ =	sdelay $0x1  }
0x8a: {  	s1 =	srdreg.scid  }
0x8b: {  	s0 =	sand.u32 $0x1, s1  }
0x8c: {  	s17 =	sshll.u32 s0, $0xA;
	s2 =	sadd.s32 s3, s2  }
0x8d: {  	s2 =	sadd.s32 s2, s17  }
0x8e: {  	[smem:$0x3FC6] =	sst s2  }
0x8f: {  	_ = 	snop  }
0x90: {  	s2 =	sld [smem:$0x3FD0];
	(tm) =	ssettm $0x1  }
0x91: {  	s18 =	sld [smem:$0x3FFB];
	_ =	sdelay $0x3  }
0x92: {  	_ =	strace s18  }
0x93: {  	s3 =	sld [smem:$0x3FFC];
	_ =	sdelay $0x3  }
0x94: {  	_ =	strace s3  }
0x95: {  	s3 =	sld [smem:$0x3FFD];
	_ =	sdelay $0x3  }
0x96: {  	_ =	strace s3  }
0x97: {  	_ =	strace $0x8FFFFFFF  }
0x98: {  	s19 =	sld [smem:$0x3FDB];
	_ =	sdelay $0x1  }
0x99: {  	s4 =	simm.s32 $_scs_section_size  }
0x9a: {  	s5 =	simm.s32 $_size__tile_overlayer_lowered;
	s6 =	simm.s32 $_tile_overlayer_lowered  }
0x9b: {  	s22 =	simm.s32 $0x1BFF;
	s21 =	sshll.u32 s6, $0x1;
	s3 =	sadd.s32 s4, s19  }
0x9c: {  	s7 =	simm.s32 $0x0;
	s20 =	sshll.u32 s5, $0x1;
	s5 =	sadd.s32 s21, s3  }
0x9d: {  	[timem:s7], [sflag:s22] =	dma.local [hbm:s5], s20  }
0x9e: {  	_ =	swait.ge [sflag:s22], s20  }
0x9f: {  	s4 =	ssub.s32 $0x0, s20;
	[sflag:s22] =	ssyncset.done $0x0  }
0xa0: {  	[sflag:s22] =	ssyncadd.s32 s4;
	_ =	sdelay $0x1  }
0xa1: {  	s23 =	simm.s32 $0x1B8B  }
0xa2: {  	_ =	swait.ge [sflag:s23], $0x1  }
0xa3: {  	[sflag:s23] =	ssyncset.done $0x0  }
0xa4: {  	s25 =	simm.s32 $0x1B8E;
	s24 =	sld [smem:$0x3FFE];
	[sflag:s23] =	ssyncadd.s32 $0xFFFFFFFF  }
0xa5: {  	s26 =	simm.s32 $execute0_lowered;
	[smem:$0x3FD2] =	sst s25  }
0xa6: {  	s5 =	sshll.u32 s26, $0x1;
	_ =	strace $0x80000046;
	[dreg:$0x1] =	wrdreg $0xFFFFFFFF  }
0xa7: {  	s28 =	simm.s32 $_size_execute0_lowered;
	s3 =	sadd.s32 s3, s5;
	[dreg:$0x0] =	wrdreg $0x0  }
0xa8: {  	s5 =	sshll.u32 s28, $0x1;
	[dreg:$0x2] =	wrdreg s3  }
0xa9: {  	[dreg:$0x3] =	wrdreg s5  }
0xaa: {  	[dreg:$0x4] =	wrdreg $0xC0  }
0xab: {  	_ =	task [dreg:s7], $0x5FFFF  }
0xac: {  	[dreg:$0x1] =	wrdreg $0xFFFFFFFF  }
0xad: {  	[dreg:$0x0] =	wrdreg $0x60  }
0xae: {  	[dreg:$0x2] =	wrdreg s24  }
0xaf: {  	[dreg:$0x3] =	wrdreg s2  }
0xb0: {  	[dreg:$0x4] =	wrdreg $0x9  }
0xb1: {  	_ =	task.clear_ibuf [dreg:s7], $0x5FFFF;
	_ =	strace $0x90000046  }
0xb2: {  	s29 =	simm.s32 $0x9;
	_ =	strace $0x80000048  }
0xb3: {  	_ =	swait.ge [sflag:s29], $0x1  }
0xb4: {  	[sflag:s29] =	ssyncadd.s32 $0xFFFFFFFF  }
0xb5: {  	_ =	strace $0x90000048  }
0xb6: {  	_ =	sfence  }
0xb7: {  	s30 =	sld [smem:$0x0];
	_ =	sdelay $0x2  }
0xb8: {  	s31 =	sshll.u32 s1, $0xD;
	s1 =	sshrl.u32 s1, $0x2  }
0xb9: {  	s3 =	sand.u32 $0x4000, s31;
	s1 =	sadd.s32 s1, s30  }
0xba: {  	s0 =	sor.u32 s3, s0;
	s1 =	sshll.u32 s1, $0x11  }
0xbb: {  	s0 =	sor.u32 s1, s0  }
0xbc: {  	s0 =	sadd.s32 $0x8F2B, s0  }
0xbd: {  	[sflag:s0] =	ssyncadd.remote.s32 $0x1  }
0xbe: {  	_ =	sfence.sel $0xFFFF  }
0xbf: {  	[dreg:$0x0] =	wrdreg $0xFFFFFFFF;
	(pc) =	sbr.abs _section_cstart, $3  }
0xc0: {  	[dreg:$0x1] =	wrdreg $0xFFFFFFFF  }
0xc1: {  	_ =	task.clear_ibuf [dreg:s7], $0x2FFFF;
	_ =	strace $0x9FFFFFFF  }
0xc2: {  	(tm) =	ssettm $0x7FFFFFFF  }
0xc3: {  	_ =	shalt  }
tec
execute0_lowered:
.L_overlay_start_1:
0x0: {  	(tag) =	ssettag $0x1  }
0x1: {  	s4 =	stileid.u32  }
0x2: {  	s0 =	rddreg [dreg:$0x0];
	s1 =	srdreg.scid  }
0x3: {  	s12 =	simm.s32 $0x3;
	s21 =	simm.s32 $0xA580;
	s22 =	simm.s32 $0x1  }
0x4: {  	s23 =	simm.s32 $0x40;
	s24 =	simm.s32 $0x3200;
	s28 =	simm.s32 $0x10580  }
0x5: {  	s29 =	simm.s32 $0x12580;
	s30 =	simm.s32 $0x14580;
	s5 =	sshrl.u32 s4, $0x2  }
0x6: {  	s31 =	simm.s32 $0x2;
	s2 =	sshll.u32 s4, $0x1;
	s4 =	smul.u32 $0xC800, s5  }
0x7: {  	s1 =	sand.u32 $0x1, s1;
	s3 =	sand.u32 $0x6, s2;
	s25 =	smul.u32 $0x190, s5  }
0x8: {  	s2 =	rddreg [dreg:$0x1];
	s5 =	smul.u32 $0x32, s5;
	s8 =	sor.u32 s1, s3  }
0x9: {  	s3 =	simm.s32 $0x0;
	s1 =	ssub.s32 $0x2, s1;
	s6 =	sshll.u32 s8, $0x7  }
0xa: {  	[smem:$0x7FF] =	sst s3;
	s9 =	sshrl.u32 s1, $0x1;
	s8 =	smul.u32 $0x190000, s8  }
.Ltmp0:
0xb: {  	s10 =	sadd.s32 s25, s0;
	s25 =	simm.s32 $0xC580;
	(pc) =	sbr.rel .LBB2_1-.Ltmp0, $4  }
0xc: {  	s4 =	sor.u32 s4, s6;
	_ =	strace $0x80000047;
	s26 =	ssub.s32 s1, s9  }
0xd: {  	s1 =	simm.s32 $0x0;
	s4 =	sshrl.u32 s4, $0x3;
	s9 =	smax.u32 s26, $0x1  }
0xe: {  	s26 =	simm.s32 $0xE580;
	s7 =	sadd.s32 s4, s0;
	s4 =	sadd.s32 $0xF43000, s0  }
0xf: {  	s6 =	sadd.s32 $0xC00, s7;
	s7 =	sadd.s32 $0x7000, s10;
	s10 =	simm.s32 $0x80  }
.LBB2_14:
0x10: {  	_ =	swait.ge [sflag:s31], $0x2000  }
0x11: {  	[sflag:s31] =	ssyncset.done $0x0  }
0x12: {  	[sflag:s31] =	ssyncadd.s32 $0xFFFFE000  }
0x13: {  	_ =	swait.ge [sflag:s31], $0x2000  }
0x14: {  	[sflag:s31] =	ssyncset.done $0x0  }
0x15: {  	[sflag:s31] =	ssyncadd.s32 $0xFFFFE000  }
0x16: {  	_ =	swait.ge [sflag:s31], $0x2000  }
0x17: {  	[sflag:s31] =	ssyncset.done $0x0  }
0x18: {  	s1 =	sadd.s32 $0x1, s1;
	[sflag:s31] =	ssyncadd.s32 $0xFFFFE000  }
0x19: {  	p0 =	sne.s32 s1, s9;
	_ =	swait.ge [sflag:s31], $0x2000  }
.Ltmp1:
0x1a: {  	[sflag:s31] =	ssyncset.done $0x0;
	(pc) =	sbr.rel @!p0 .LBB2_15-.Ltmp1, $4  }
0x1b: {  	[sflag:s31] =	ssyncadd.s32 $0xFFFFE000  }
0x1c: {  	_ =	swait.ge [sflag:s31], $0x2000  }
0x1d: {  	[sflag:s31] =	ssyncset.done $0x0  }
0x1e: {  	[sflag:s31] =	ssyncadd.s32 $0xFFFFE000  }
.LBB2_1:
0x1f: {  	s0 =	simm.s32 $0x400  }
0x20: {  	[tilespmem:s3], [sflag:$0x3] =	stream.strided.gather [hbm4b:s6+s10], $0x1900, s0, s10, $0x38;
	[tilespmem:$0x16580] =	vst v63  }
0x21: {  	_ =	swait.ge [sflag:s12], $0x1900  }
0x22: {  	[sflag:s12] =	ssyncset.done $0x0  }
0x23: {  	s14 =	simm.s32 $0x1900;
	[sflag:s12] =	ssyncadd.s32 $0xFFFFE700  }
0x24: {  	[tilespmem:s14], [sflag:$0x3] =	stream.linear.gather [hbm4b:s7+s3], $0xC80, $0x38;
	[tilespmem:$0x16580] =	vst v63  }
0x25: {  	_ =	swait.ge [sflag:s12], $0xC80  }
0x26: {  	[sflag:s12] =	ssyncset.done $0x0  }
0x27: {  	s15 =	simm.s32 $0x2580;
	[sflag:s12] =	ssyncadd.s32 $0xFFFFF380  }
0x28: {  	[tilespmem:s15], [sflag:$0x1] =	stream.indirect.gather [hbm4b:s4+s10], $0x40, s3, s10, $0xb8;
	[tilespmem:$0x16580] =	vst v63  }
0x29: {  	s16 =	simm.s32 $0x4580  }
0x2a: {  	[tilespmem:s16], [sflag:$0x1] =	stream.indirect.gather [hbm4b:s4+s10], $0x40, s10, s10, $0xb8;
	[tilespmem:$0x16580] =	vst v63  }
0x2b: {  	s17 =	simm.s32 $0x100;
	s11 =	simm.s32 $0x6580  }
0x2c: {  	[tilespmem:s11], [sflag:$0x1] =	stream.indirect.gather [hbm4b:s4+s10], $0x40, s17, s10, $0xb8;
	[tilespmem:$0x16580] =	vst v63  }
0x2d: {  	s18 =	simm.s32 $0x180;
	s19 =	simm.s32 $0x8580  }
0x2e: {  	[tilespmem:s19], [sflag:$0x1] =	stream.indirect.gather [hbm4b:s4+s10], $0x40, s18, s10, $0xb8;
	[tilespmem:$0x16580] =	vst v63  }
0x2f: {  	s20 =	simm.s32 $0x200;
	s0 =	simm.s32 $0x0  }
0x30: {  	[tilespmem:s21], [sflag:$0x1] =	stream.indirect.gather [hbm4b:s4+s10], $0x40, s20, s10, $0xb8;
	[tilespmem:$0x16580] =	vst v63  }
.LBB2_2:
0x31: {  	_ =	swait.ge [sflag:s22], $0x2000  }
0x32: {  	p0 =	seq.s32 s0, $0x0;
	[sflag:s22] =	ssyncset.done $0x0  }
0x33: {  	s11 =	simm.s32 @!p0 $0x2;
	[sflag:s22] =	ssyncadd.s32 $0xFFFFE000  }
0x34: {  	s13 =	smul.u32 $0x500, s0;
	_ =	swait.ge @!p0 [sflag:s11], $0x2000  }
0x35: {  	[sflag:s11] =	ssyncset.done @!p0 $0x0  }
0x36: {  	s13 =	sshra.s32 s13, $0x2;
	[sflag:s11] =	ssyncadd.s32 @!p0 $0xFFFFE000  }
0x37: {  	v2 =	vld [tilespmem:s13+$0x1900]  }
0x38: {  	s11 =	simm.s32 $0x0;
	v3 =	vld [tilespmem:s13+$0x1930]  }
0x39: {  	v4 =	vld [tilespmem:s11+$0x25B0]  }
0x3a: {  	v5 =	vld [tilespmem:s11+$0x2580]  }
0x3b: {  	v8 =	vld [tilespmem:s11+$0x2590]  }
0x3c: {  	v9 =	vld [tilespmem:s11+$0x25A0]  }
0x3d: {  	v0 =	vld [tilespmem:s13+$0x1910]  }
0x3e: {  	s14 =	simm.s32 $0x40;
	v1 =	vld [tilespmem:s13+$0x1920];
	v4 =	vmul.f32 $8.000000000e+00, v4  }
0x3f: {  	v6 =	vld [tilespmem:s14+$0x25B0];
	v10 =	vmul.f32 $8.000000000e+00, v5  }
0x40: {  	v7 =	vld [tilespmem:s14+$0x2580];
	v8 =	vmul.f32 $8.000000000e+00, v8;
	v11 =	vadd.f32 v4, v3  }
0x41: {  	v5 =	vld [tilespmem:s14+$0x2590];
	v12 =	vmul.f32 $8.000000000e+00, v9;
	v10 =	vadd.f32 v10, v2  }
0x42: {  	v4 =	vld [tilespmem:s14+$0x25A0];
	v9 =	vadd.f32 v8, v0;
	[tilespmem:s11+$0xC5B0] =	vst v11  }
0x43: {  	s15 =	simm.s32 $0x200;
	s13 =	smul.u32 $0x5, s0;
	v8 =	vadd.f32 v12, v1;
	[tilespmem:s11+$0xC580] =	vst v10  }
.LBB2_3:
0x44: {  	s16 =	sshra.s32 s15, $0x2;
	p1 =	sne.s32 s15, $0x7F00;
	s15 =	sadd.s32 $0x100, s15;
	v10 =	vmul.f32 $8.000000000e+00, v6;
	[tilespmem:s11+$0xC590] =	vst v9  }
.Ltmp2:
0x45: {  	v6 =	vld [tilespmem:s16+$0x25B0];
	v9 =	vmul.f32 $8.000000000e+00, v7;
	[tilespmem:s11+$0xC5A0] =	vst v8;
	s11 =	smov.u32 s14;
	s14 =	smov.u32 s16;
	(pc) =	sbr.rel @p1 .LBB2_3-.Ltmp2, $4  }
0x46: {  	v7 =	vld [tilespmem:s14+$0x2580];
	v8 =	vmul.f32 $8.000000000e+00, v5;
	v10 =	vadd.f32 v10, v3  }
0x47: {  	v5 =	vld [tilespmem:s14+$0x2590];
	v11 =	vadd.f32 v9, v2;
	v12 =	vmul.f32 $8.000000000e+00, v4  }
0x48: {  	v4 =	vld [tilespmem:s14+$0x25A0];
	v9 =	vadd.f32 v8, v0;
	[tilespmem:s11+$0xC5B0] =	vst v10  }
0x49: {  	[tilespmem:s11+$0xC580] =	vst v11;
	v8 =	vadd.f32 v12, v1  }
0x4a: {  	s15 =	sadd.s32 s5, s13;
	s16 =	sand.u32 $0x1, s13  }
0x4b: {  	p1 =	seq.s32 s15, $0x0;
	p2 =	seq.s32 s16, $0x1  }
0x4c: {  	p1 =	por !p1, !p2  }
0x4d: {  	v6 =	vmul.f32 $8.000000000e+00, v6;
	s16 =	simm.s32 $0x1;
	p1 =	por !p1, !p1  }
0x4e: {  	v7 =	vmul.f32 $8.000000000e+00, v7;
	s15 =	sshrl.u32 s15, $0x1;
	s16 =	simm.s32 @!p1 $0x0  }
0x4f: {  	[tilespmem:s11+$0xC590] =	vst v9;
	v5 =	vmul.f32 $8.000000000e+00, v5;
	v3 =	vadd.f32 v6, v3;
	s15 =	ssub.s32 s15, s16  }
0x50: {  	s18 =	sshll.u32 s0, $0x6;
	[tilespmem:s11+$0xC5A0] =	vst v8;
	v2 =	vadd.f32 v7, v2;
	v4 =	vmul.f32 $8.000000000e+00, v4;
	s17 =	sshll.u32 s15, $0x7  }
0x51: {  	s11 =	sand.u32 $0x40, s18;
	v0 =	vadd.f32 v5, v0;
	[tilespmem:s14+$0xC5B0] =	vst v3;
	s19 =	sadd.s32 s8, s17  }
0x52: {  	[tilespmem:s14+$0xC580] =	vst v2;
	v1 =	vadd.f32 v4, v1;
	s15 =	sor.u32 s11, s19  }
0x53: {  	p1 =	seq.s32 s0, $0x9;
	[tilespmem:s14+$0xC590] =	vst v0;
	s15 =	sshrl.u32 s15, $0x3  }
0x54: {  	[tilespmem:s14+$0xC5A0] =	vst v1;
	s20 =	sadd.s32 s2, s15;
	s15 =	smul.u32 @!p1 $0xA00, s0  }
0x55: {  	[hbm4b:s20+s23] =	stream.strided.scatter [tilespmem:s25], [sflag:$0x2], $0x2000, s24, s23, $0x38;
	[tilespmem:$0x16580] =	vst v63  }
0x56: {  	s14 =	sshra.s32 @!p1 s15, $0x2  }
0x57: {  	s16 =	simm.s32 @!p1 $0x80;
	s17 =	simm.s32 @!p1 $0x2580;
	s15 =	sadd.s32 @!p1 $0x280, s14  }
0x58: {  	[tilespmem:s17], [sflag:$0x1] =	stream.indirect.gather @!p1 [hbm4b:s4+s16], $0x40, s15, s16, $0xb8;
	[tilespmem:$0x16580] =	vst v63  }
0x59: {  	_ =	swait.ge [sflag:s22], $0x2000  }
0x5a: {  	[sflag:s22] =	ssyncset.done $0x0  }
0x5b: {  	s15 =	simm.s32 @!p0 $0x2;
	[sflag:s22] =	ssyncadd.s32 $0xFFFFE000  }
0x5c: {  	_ =	swait.ge @!p0 [sflag:s15], $0x2000  }
0x5d: {  	s17 =	sadd.s32 $0x1, s13;
	[sflag:s15] =	ssyncset.done @!p0 $0x0  }
0x5e: {  	[sflag:s15] =	ssyncadd.s32 @!p0 $0xFFFFE000;
	s15 =	sshll.u32 s17, $0x6  }
0x5f: {  	v1 =	vld [tilespmem:s15+$0x1900]  }
0x60: {  	s18 =	simm.s32 $0x0;
	v3 =	vld [tilespmem:s15+$0x1930]  }
0x61: {  	v4 =	vld [tilespmem:s18+$0x45B0]  }
0x62: {  	v6 =	vld [tilespmem:s18+$0x4580]  }
0x63: {  	v8 =	vld [tilespmem:s18+$0x4590]  }
0x64: {  	v9 =	vld [tilespmem:s18+$0x45A0]  }
0x65: {  	v0 =	vld [tilespmem:s15+$0x1910]  }
0x66: {  	s16 =	simm.s32 $0x40;
	v2 =	vld [tilespmem:s15+$0x1920];
	v4 =	vmul.f32 $8.000000000e+00, v4  }
0x67: {  	v5 =	vld [tilespmem:s16+$0x45B0];
	v10 =	vmul.f32 $8.000000000e+00, v6  }
0x68: {  	v7 =	vld [tilespmem:s16+$0x4580];
	v8 =	vmul.f32 $8.000000000e+00, v8;
	v11 =	vadd.f32 v4, v3  }
0x69: {  	v6 =	vld [tilespmem:s16+$0x4590];
	v12 =	vmul.f32 $8.000000000e+00, v9;
	v10 =	vadd.f32 v10, v1  }
0x6a: {  	v4 =	vld [tilespmem:s16+$0x45A0];
	v9 =	vadd.f32 v8, v0;
	[tilespmem:s18+$0xE5B0] =	vst v11  }
0x6b: {  	s19 =	simm.s32 $0x200;
	v8 =	vadd.f32 v12, v2;
	[tilespmem:s18+$0xE580] =	vst v10  }
.LBB2_5:
0x6c: {  	s20 =	sshra.s32 s19, $0x2;
	p2 =	sne.s32 s19, $0x7F00;
	s19 =	sadd.s32 $0x100, s19;
	v10 =	vmul.f32 $8.000000000e+00, v5;
	[tilespmem:s18+$0xE590] =	vst v9  }
.Ltmp3:
0x6d: {  	v5 =	vld [tilespmem:s20+$0x45B0];
	v9 =	vmul.f32 $8.000000000e+00, v7;
	[tilespmem:s18+$0xE5A0] =	vst v8;
	s18 =	smov.u32 s16;
	s16 =	smov.u32 s20;
	(pc) =	sbr.rel @p2 .LBB2_5-.Ltmp3, $4  }
0x6e: {  	v7 =	vld [tilespmem:s16+$0x4580];
	v8 =	vmul.f32 $8.000000000e+00, v6;
	v10 =	vadd.f32 v10, v3  }
0x6f: {  	v6 =	vld [tilespmem:s16+$0x4590];
	v11 =	vadd.f32 v9, v1;
	v12 =	vmul.f32 $8.000000000e+00, v4  }
0x70: {  	v4 =	vld [tilespmem:s16+$0x45A0];
	v9 =	vadd.f32 v8, v0;
	[tilespmem:s18+$0xE5B0] =	vst v10  }
0x71: {  	[tilespmem:s18+$0xE580] =	vst v11;
	v8 =	vadd.f32 v12, v2  }
0x72: {  	v5 =	vmul.f32 $8.000000000e+00, v5  }
0x73: {  	s17 =	sadd.s32 s5, s17;
	v7 =	vmul.f32 $8.000000000e+00, v7  }
0x74: {  	[tilespmem:s18+$0xE590] =	vst v9;
	s17 =	sshll.u32 s17, $0x6;
	v6 =	vmul.f32 $8.000000000e+00, v6;
	v3 =	vadd.f32 v5, v3  }
0x75: {  	s15 =	sand.u32 $0x40, s15;
	[tilespmem:s18+$0xE5A0] =	vst v8;
	s17 =	sand.u32 $0x7F80, s17;
	v1 =	vadd.f32 v7, v1;
	v4 =	vmul.f32 $8.000000000e+00, v4  }
0x76: {  	s15 =	sor.u32 s17, s15;
	v0 =	vadd.f32 v6, v0;
	[tilespmem:s16+$0xE5B0] =	vst v3  }
0x77: {  	s15 =	sor.u32 s8, s15;
	[tilespmem:s16+$0xE580] =	vst v1;
	v1 =	vadd.f32 v4, v2  }
0x78: {  	s15 =	sshrl.u32 s15, $0x3;
	[tilespmem:s16+$0xE590] =	vst v0  }
0x79: {  	s15 =	sadd.s32 s2, s15;
	[tilespmem:s16+$0xE5A0] =	vst v1  }
0x7a: {  	[hbm4b:s15+s23] =	stream.strided.scatter [tilespmem:s26], [sflag:$0x2], $0x2000, s24, s23, $0x38;
	[tilespmem:$0x16580] =	vst v63  }
0x7b: {  	s17 =	simm.s32 @!p1 $0x4580;
	s16 =	simm.s32 @!p1 $0x80;
	s15 =	sadd.s32 @!p1 $0x300, s14  }
0x7c: {  	[tilespmem:s17], [sflag:$0x1] =	stream.indirect.gather @!p1 [hbm4b:s4+s16], $0x40, s15, s16, $0xb8;
	[tilespmem:$0x16580] =	vst v63  }
0x7d: {  	_ =	swait.ge [sflag:s22], $0x2000  }
0x7e: {  	[sflag:s22] =	ssyncset.done $0x0  }
0x7f: {  	s15 =	simm.s32 @!p0 $0x2;
	[sflag:s22] =	ssyncadd.s32 $0xFFFFE000  }
0x80: {  	s16 =	sadd.s32 $0x2, s13;
	_ =	swait.ge @!p0 [sflag:s15], $0x2000  }
0x81: {  	s19 =	sshll.u32 s16, $0x6;
	[sflag:s15] =	ssyncset.done @!p0 $0x0  }
0x82: {  	s20 =	sand.u32 $0x3FFFFFC0, s19;
	[sflag:s15] =	ssyncadd.s32 @!p0 $0xFFFFE000  }
0x83: {  	v1 =	vld [tilespmem:s20+$0x1900]  }
0x84: {  	s17 =	simm.s32 $0x0;
	v3 =	vld [tilespmem:s20+$0x1930]  }
0x85: {  	v4 =	vld [tilespmem:s17+$0x65B0]  }
0x86: {  	v6 =	vld [tilespmem:s17+$0x6580]  }
0x87: {  	v8 =	vld [tilespmem:s17+$0x6590]  }
0x88: {  	v9 =	vld [tilespmem:s17+$0x65A0]  }
0x89: {  	v0 =	vld [tilespmem:s20+$0x1910]  }
0x8a: {  	s15 =	simm.s32 $0x40;
	v2 =	vld [tilespmem:s20+$0x1920];
	v4 =	vmul.f32 $8.000000000e+00, v4  }
0x8b: {  	v5 =	vld [tilespmem:s15+$0x65B0];
	v10 =	vmul.f32 $8.000000000e+00, v6  }
0x8c: {  	v7 =	vld [tilespmem:s15+$0x6580];
	v8 =	vmul.f32 $8.000000000e+00, v8;
	v11 =	vadd.f32 v4, v3  }
0x8d: {  	v6 =	vld [tilespmem:s15+$0x6590];
	v12 =	vmul.f32 $8.000000000e+00, v9;
	v10 =	vadd.f32 v10, v1  }
0x8e: {  	v4 =	vld [tilespmem:s15+$0x65A0];
	v9 =	vadd.f32 v8, v0;
	[tilespmem:s17+$0x105B0] =	vst v11  }
0x8f: {  	s18 =	simm.s32 $0x200;
	v8 =	vadd.f32 v12, v2;
	[tilespmem:s17+$0x10580] =	vst v10  }
.LBB2_7:
0x90: {  	s19 =	sshra.s32 s18, $0x2;
	p2 =	sne.s32 s18, $0x7F00;
	s18 =	sadd.s32 $0x100, s18;
	v10 =	vmul.f32 $8.000000000e+00, v5;
	[tilespmem:s17+$0x10590] =	vst v9  }
.Ltmp4:
0x91: {  	v5 =	vld [tilespmem:s19+$0x65B0];
	v9 =	vmul.f32 $8.000000000e+00, v7;
	[tilespmem:s17+$0x105A0] =	vst v8;
	s17 =	smov.u32 s15;
	s15 =	smov.u32 s19;
	(pc) =	sbr.rel @p2 .LBB2_7-.Ltmp4, $4  }
0x92: {  	v7 =	vld [tilespmem:s15+$0x6580];
	v8 =	vmul.f32 $8.000000000e+00, v6;
	v10 =	vadd.f32 v10, v3  }
0x93: {  	v6 =	vld [tilespmem:s15+$0x6590];
	v11 =	vadd.f32 v9, v1;
	v12 =	vmul.f32 $8.000000000e+00, v4  }
0x94: {  	v4 =	vld [tilespmem:s15+$0x65A0];
	v9 =	vadd.f32 v8, v0;
	[tilespmem:s17+$0x105B0] =	vst v10  }
0x95: {  	[tilespmem:s17+$0x10580] =	vst v11;
	v8 =	vadd.f32 v12, v2  }
0x96: {  	v5 =	vmul.f32 $8.000000000e+00, v5  }
0x97: {  	s16 =	sadd.s32 s5, s16;
	v7 =	vmul.f32 $8.000000000e+00, v7  }
0x98: {  	[tilespmem:s17+$0x10590] =	vst v9;
	s16 =	sshll.u32 s16, $0x6;
	v6 =	vmul.f32 $8.000000000e+00, v6;
	v3 =	vadd.f32 v5, v3  }
0x99: {  	[tilespmem:s17+$0x105A0] =	vst v8;
	s16 =	sand.u32 $0x7F80, s16;
	v1 =	vadd.f32 v7, v1;
	v4 =	vmul.f32 $8.000000000e+00, v4  }
0x9a: {  	s16 =	sor.u32 s16, s8;
	v0 =	vadd.f32 v6, v0;
	[tilespmem:s15+$0x105B0] =	vst v3  }
0x9b: {  	s16 =	sor.u32 s11, s16;
	[tilespmem:s15+$0x10580] =	vst v1;
	v1 =	vadd.f32 v4, v2  }
0x9c: {  	s16 =	sshrl.u32 s16, $0x3;
	[tilespmem:s15+$0x10590] =	vst v0  }
0x9d: {  	s20 =	sadd.s32 s2, s16;
	[tilespmem:s15+$0x105A0] =	vst v1  }
0x9e: {  	[hbm4b:s20+s23] =	stream.strided.scatter [tilespmem:s28], [sflag:$0x2], $0x2000, s24, s23, $0x38;
	[tilespmem:$0x16580] =	vst v63  }
0x9f: {  	s17 =	simm.s32 @!p1 $0x6580;
	s16 =	simm.s32 @!p1 $0x80;
	s15 =	sadd.s32 @!p1 $0x380, s14  }
0xa0: {  	[tilespmem:s17], [sflag:$0x1] =	stream.indirect.gather @!p1 [hbm4b:s4+s16], $0x40, s15, s16, $0xb8;
	[tilespmem:$0x16580] =	vst v63  }
0xa1: {  	_ =	swait.ge [sflag:s22], $0x2000  }
0xa2: {  	[sflag:s22] =	ssyncset.done $0x0  }
0xa3: {  	s15 =	simm.s32 @!p0 $0x2;
	[sflag:s22] =	ssyncadd.s32 $0xFFFFE000  }
0xa4: {  	_ =	swait.ge @!p0 [sflag:s15], $0x2000  }
0xa5: {  	s17 =	sadd.s32 $0x3, s13;
	[sflag:s15] =	ssyncset.done @!p0 $0x0  }
0xa6: {  	[sflag:s15] =	ssyncadd.s32 @!p0 $0xFFFFE000;
	s15 =	sshll.u32 s17, $0x6  }
0xa7: {  	v1 =	vld [tilespmem:s15+$0x1900]  }
0xa8: {  	s18 =	simm.s32 $0x0;
	v3 =	vld [tilespmem:s15+$0x1930]  }
0xa9: {  	v4 =	vld [tilespmem:s18+$0x85B0]  }
0xaa: {  	v6 =	vld [tilespmem:s18+$0x8580]  }
0xab: {  	v8 =	vld [tilespmem:s18+$0x8590]  }
0xac: {  	v9 =	vld [tilespmem:s18+$0x85A0]  }
0xad: {  	v0 =	vld [tilespmem:s15+$0x1910]  }
0xae: {  	s16 =	simm.s32 $0x40;
	v2 =	vld [tilespmem:s15+$0x1920];
	v4 =	vmul.f32 $8.000000000e+00, v4  }
0xaf: {  	v5 =	vld [tilespmem:s16+$0x85B0];
	v10 =	vmul.f32 $8.000000000e+00, v6  }
0xb0: {  	v7 =	vld [tilespmem:s16+$0x8580];
	v8 =	vmul.f32 $8.000000000e+00, v8;
	v11 =	vadd.f32 v4, v3  }
0xb1: {  	v6 =	vld [tilespmem:s16+$0x8590];
	v12 =	vmul.f32 $8.000000000e+00, v9;
	v10 =	vadd.f32 v10, v1  }
0xb2: {  	v4 =	vld [tilespmem:s16+$0x85A0];
	v9 =	vadd.f32 v8, v0;
	[tilespmem:s18+$0x125B0] =	vst v11  }
0xb3: {  	s19 =	simm.s32 $0x200;
	v8 =	vadd.f32 v12, v2;
	[tilespmem:s18+$0x12580] =	vst v10  }
.LBB2_9:
0xb4: {  	s20 =	sshra.s32 s19, $0x2;
	p2 =	sne.s32 s19, $0x7F00;
	s19 =	sadd.s32 $0x100, s19;
	v10 =	vmul.f32 $8.000000000e+00, v5;
	[tilespmem:s18+$0x12590] =	vst v9  }
.Ltmp5:
0xb5: {  	v5 =	vld [tilespmem:s20+$0x85B0];
	v9 =	vmul.f32 $8.000000000e+00, v7;
	[tilespmem:s18+$0x125A0] =	vst v8;
	s18 =	smov.u32 s16;
	s16 =	smov.u32 s20;
	(pc) =	sbr.rel @p2 .LBB2_9-.Ltmp5, $4  }
0xb6: {  	v7 =	vld [tilespmem:s16+$0x8580];
	v8 =	vmul.f32 $8.000000000e+00, v6;
	v10 =	vadd.f32 v10, v3  }
0xb7: {  	v6 =	vld [tilespmem:s16+$0x8590];
	v11 =	vadd.f32 v9, v1;
	v12 =	vmul.f32 $8.000000000e+00, v4  }
0xb8: {  	v4 =	vld [tilespmem:s16+$0x85A0];
	v9 =	vadd.f32 v8, v0;
	[tilespmem:s18+$0x125B0] =	vst v10  }
0xb9: {  	[tilespmem:s18+$0x12580] =	vst v11;
	v8 =	vadd.f32 v12, v2  }
0xba: {  	v5 =	vmul.f32 $8.000000000e+00, v5  }
0xbb: {  	s17 =	sadd.s32 s5, s17;
	v7 =	vmul.f32 $8.000000000e+00, v7  }
0xbc: {  	[tilespmem:s18+$0x12590] =	vst v9;
	s17 =	sshll.u32 s17, $0x6;
	v6 =	vmul.f32 $8.000000000e+00, v6;
	v3 =	vadd.f32 v5, v3  }
0xbd: {  	s15 =	sand.u32 $0x40, s15;
	[tilespmem:s18+$0x125A0] =	vst v8;
	s17 =	sand.u32 $0x7F80, s17;
	v1 =	vadd.f32 v7, v1;
	v4 =	vmul.f32 $8.000000000e+00, v4  }
0xbe: {  	s15 =	sor.u32 s17, s15;
	v0 =	vadd.f32 v6, v0;
	[tilespmem:s16+$0x125B0] =	vst v3  }
0xbf: {  	s15 =	sor.u32 s8, s15;
	[tilespmem:s16+$0x12580] =	vst v1;
	v1 =	vadd.f32 v4, v2  }
0xc0: {  	s15 =	sshrl.u32 s15, $0x3;
	[tilespmem:s16+$0x12590] =	vst v0  }
0xc1: {  	s15 =	sadd.s32 s2, s15;
	[tilespmem:s16+$0x125A0] =	vst v1  }
0xc2: {  	[hbm4b:s15+s23] =	stream.strided.scatter [tilespmem:s29], [sflag:$0x2], $0x2000, s24, s23, $0x38;
	[tilespmem:$0x16580] =	vst v63  }
0xc3: {  	s14 =	sadd.s32 @!p1 $0x400, s14;
	s16 =	simm.s32 @!p1 $0x8580;
	s15 =	simm.s32 @!p1 $0x80  }
0xc4: {  	[tilespmem:s16], [sflag:$0x1] =	stream.indirect.gather @!p1 [hbm4b:s4+s15], $0x40, s14, s15, $0xb8;
	[tilespmem:$0x16580] =	vst v63  }
0xc5: {  	_ =	swait.ge [sflag:s22], $0x2000  }
0xc6: {  	[sflag:s22] =	ssyncset.done $0x0  }
0xc7: {  	s15 =	simm.s32 @!p0 $0x2;
	[sflag:s22] =	ssyncadd.s32 $0xFFFFE000  }
0xc8: {  	s14 =	sadd.s32 $0x4, s13;
	_ =	swait.ge @!p0 [sflag:s15], $0x2000  }
0xc9: {  	s13 =	sshll.u32 s14, $0x6;
	[sflag:s15] =	ssyncset.done @!p0 $0x0  }
0xca: {  	s13 =	sand.u32 $0x3FFFFFC0, s13;
	[sflag:s15] =	ssyncadd.s32 @!p0 $0xFFFFE000  }
0xcb: {  	v1 =	vld [tilespmem:s13+$0x1900]  }
0xcc: {  	s15 =	simm.s32 $0x0;
	v3 =	vld [tilespmem:s13+$0x1930]  }
0xcd: {  	v4 =	vld [tilespmem:s15+$0xA5B0]  }
0xce: {  	v6 =	vld [tilespmem:s15+$0xA580]  }
0xcf: {  	v8 =	vld [tilespmem:s15+$0xA590]  }
0xd0: {  	v9 =	vld [tilespmem:s15+$0xA5A0]  }
0xd1: {  	v0 =	vld [tilespmem:s13+$0x1910]  }
0xd2: {  	v2 =	vld [tilespmem:s13+$0x1920];
	s13 =	simm.s32 $0x40;
	v4 =	vmul.f32 $8.000000000e+00, v4  }
0xd3: {  	v5 =	vld [tilespmem:s13+$0xA5B0];
	v10 =	vmul.f32 $8.000000000e+00, v6  }
0xd4: {  	v7 =	vld [tilespmem:s13+$0xA580];
	v8 =	vmul.f32 $8.000000000e+00, v8;
	v11 =	vadd.f32 v4, v3  }
0xd5: {  	v6 =	vld [tilespmem:s13+$0xA590];
	v12 =	vmul.f32 $8.000000000e+00, v9;
	v10 =	vadd.f32 v10, v1  }
0xd6: {  	v4 =	vld [tilespmem:s13+$0xA5A0];
	v9 =	vadd.f32 v8, v0;
	[tilespmem:s15+$0x145B0] =	vst v11  }
0xd7: {  	s16 =	simm.s32 $0x200;
	v8 =	vadd.f32 v12, v2;
	[tilespmem:s15+$0x14580] =	vst v10  }
.LBB2_11:
0xd8: {  	s17 =	sshra.s32 s16, $0x2;
	p0 =	sne.s32 s16, $0x7F00;
	s16 =	sadd.s32 $0x100, s16;
	v10 =	vmul.f32 $8.000000000e+00, v5;
	[tilespmem:s15+$0x14590] =	vst v9  }
.Ltmp6:
0xd9: {  	v5 =	vld [tilespmem:s17+$0xA5B0];
	v9 =	vmul.f32 $8.000000000e+00, v7;
	[tilespmem:s15+$0x145A0] =	vst v8;
	s15 =	smov.u32 s13;
	s13 =	smov.u32 s17;
	(pc) =	sbr.rel @p0 .LBB2_11-.Ltmp6, $4  }
0xda: {  	v7 =	vld [tilespmem:s13+$0xA580];
	v8 =	vmul.f32 $8.000000000e+00, v6;
	v10 =	vadd.f32 v10, v3  }
0xdb: {  	v6 =	vld [tilespmem:s13+$0xA590];
	v11 =	vadd.f32 v9, v1;
	v12 =	vmul.f32 $8.000000000e+00, v4  }
0xdc: {  	v4 =	vld [tilespmem:s13+$0xA5A0];
	v9 =	vadd.f32 v8, v0;
	[tilespmem:s15+$0x145B0] =	vst v10  }
0xdd: {  	[tilespmem:s15+$0x14580] =	vst v11;
	v8 =	vadd.f32 v12, v2  }
0xde: {  	v5 =	vmul.f32 $8.000000000e+00, v5  }
0xdf: {  	s14 =	sadd.s32 s5, s14;
	v7 =	vmul.f32 $8.000000000e+00, v7  }
0xe0: {  	[tilespmem:s15+$0x14590] =	vst v9;
	s14 =	sshll.u32 s14, $0x6;
	v6 =	vmul.f32 $8.000000000e+00, v6;
	v3 =	vadd.f32 v5, v3  }
0xe1: {  	[tilespmem:s15+$0x145A0] =	vst v8;
	s14 =	sand.u32 $0x7F80, s14;
	v1 =	vadd.f32 v7, v1;
	v4 =	vmul.f32 $8.000000000e+00, v4  }
.Ltmp7:
0xe2: {  	s14 =	sor.u32 s14, s8;
	v0 =	vadd.f32 v6, v0;
	[tilespmem:s13+$0x145B0] =	vst v3;
	(pc) =	sbr.rel @p1 .LBB2_14-.Ltmp7, $4  }
0xe3: {  	s11 =	sor.u32 s11, s14;
	[tilespmem:s13+$0x14580] =	vst v1;
	v63 =	vadd.f32 v4, v2  }
0xe4: {  	s11 =	sshrl.u32 s11, $0x3;
	[tilespmem:s13+$0x14590] =	vst v0  }
0xe5: {  	s11 =	sadd.s32 s2, s11;
	[tilespmem:s13+$0x145A0] =	vst v63  }
0xe6: {  	[hbm4b:s11+s23] =	stream.strided.scatter [tilespmem:s30], [sflag:$0x2], $0x2000, s24, s23, $0x38;
	[tilespmem:$0x16580] =	vst v63  }
0xe7: {  	s11 =	smul.u32 $0xA00, s0  }
.Ltmp8:
0xe8: {  	_ = 	snop;
	(pc) =	sbr.rel .LBB2_2-.Ltmp8, $4  }
0xe9: {  	_ = 	snop  }
0xea: {  	s11 =	sshra.s32 s11, $0x2  }
0xeb: {  	s0 =	sadd.s32 $0x1, s0;
	s11 =	sadd.s32 $0x480, s11  }
0xec: {  	[tilespmem:s21], [sflag:$0x1] =	stream.indirect.gather [hbm4b:s4+s10], $0x40, s11, s10, $0xb8;
	[tilespmem:$0x16580] =	vst v63  }
.LBB2_15:
0xed: {  	_ =	sfence.sel $0x180000  }
0xee: {  	[bflag:$0x0] =	sbarrier.arrive $0xFFFF  }
0xef: {  	_ =	strace $0x90000047  }
0xf0: {  	s0 =	stileid.u32;
	[bflag:$0x2] =	sbarrier.arrive $0xFFFF  }
0xf1: {  	p0 =	sne.s32 s0, $0x0;
	s0 =	rddreg [dreg:$0x2]  }
0xf2: {  	s0 =	sadd.s32 @!p0 $0x100000, s0  }
0xf3: {  	[sflag:s0] =	ssyncadd.tile.s32 @!p0 $0x1;
	_ =	shalt  }
.Lfunc_end2:
_tile_overlayer_lowered:
.L_overlay_start_2:
0xf4: {  	(tag) =	ssettag $0x2  }
0xf5: {  	s0 =	rddreg [dreg:$0x0];
	s2 =	stileid.u32  }
0xf6: {  	s1 =	rddreg [dreg:$0x1];
	p0 =	sne.s32 s2, $0x0  }
0xf7: {  	s3 =	rddreg [dreg:$0x2];
	[bflag:$0x3] =	sbarrier.arrive $0xFFFF;
	s2 =	simm.s32 @!p0 $0x1C03  }
0xf8: {  	[timem:s3], [sflag:s2] =	dma.local @!p0 [hbm:s0], s1  }
0xf9: {  	s0 =	simm.s32 @!p0 $0x3  }
0xfa: {  	_ =	swait.ge @!p0 [sflag:s0], s1  }
0xfb: {  	s1 =	ssub.s32 @!p0 $0x0, s1;
	[sflag:s0] =	ssyncset.done @!p0 $0x0  }
0xfc: {  	[sflag:s0] =	ssyncadd.s32 @!p0 s1  }
0xfd: {  	[bflag:$0x3] =	sbarrier.arrive $0xFFFF  }
0xfe: {  	_ =	shalt  }

// kernel: sparse-core-data-format-call.cloned.1.call-start
scs
called_computation_lowered:
.L_overlay_start_0:
0x0: {  	s2 =	sld [smem:$0x3FD9]  }
0x1: {  	s3 =	sld [smem:$0x3FFE];
	_ =	sdelay $0x1  }
0x2: {  	s1 =	srdreg.scid  }
0x3: {  	s0 =	sand.u32 $0x1, s1  }
0x4: {  	s18 =	sshll.u32 s0, $0xA;
	s2 =	sadd.s32 s3, s2  }
0x5: {  	s2 =	sadd.s32 s2, s18  }
0x6: {  	[smem:$0x3FC6] =	sst s2  }
0x7: {  	_ = 	snop  }
0x8: {  	s2 =	sld [smem:$0x3FD0];
	(tm) =	ssettm $0x1  }
0x9: {  	s19 =	sld [smem:$0x3FFB];
	_ =	sdelay $0x3  }
0xa: {  	_ =	strace s19  }
0xb: {  	s3 =	sld [smem:$0x3FFC];
	_ =	sdelay $0x3  }
0xc: {  	_ =	strace s3  }
0xd: {  	s3 =	sld [smem:$0x3FFD];
	_ =	sdelay $0x3  }
0xe: {  	_ =	strace s3  }
0xf: {  	_ =	strace $0x8FFFFFFF  }
0x10: {  	s20 =	sld [smem:$0x3FDB];
	_ =	sdelay $0x1  }
0x11: {  	s4 =	simm.s32 $_scs_section_size  }
0x12: {  	s5 =	simm.s32 $_size__tile_overlayer_lowered;
	s6 =	simm.s32 $_tile_overlayer_lowered  }
0x13: {  	s23 =	simm.s32 $0x1BFF;
	s22 =	sshll.u32 s6, $0x1;
	s3 =	sadd.s32 s4, s20  }
0x14: {  	s7 =	simm.s32 $0x0;
	s21 =	sshll.u32 s5, $0x1;
	s5 =	sadd.s32 s22, s3  }
0x15: {  	[timem:s7], [sflag:s23] =	dma.local [hbm:s5], s21  }
0x16: {  	_ =	swait.ge [sflag:s23], s21  }
0x17: {  	s4 =	ssub.s32 $0x0, s21;
	[sflag:s23] =	ssyncset.done $0x0  }
0x18: {  	[sflag:s23] =	ssyncadd.s32 s4;
	_ =	sdelay $0x1  }
0x19: {  	s24 =	simm.s32 $0x1B8B  }
0x1a: {  	_ =	swait.ge [sflag:s24], $0x1  }
0x1b: {  	[sflag:s24] =	ssyncset.done $0x0  }
0x1c: {  	s26 =	simm.s32 $0x1B8E;
	s25 =	sld [smem:$0x3FFE];
	[sflag:s24] =	ssyncadd.s32 $0xFFFFFFFF  }
0x1d: {  	s27 =	simm.s32 $execute0_lowered;
	[smem:$0x3FD2] =	sst s26  }
0x1e: {  	s5 =	sshll.u32 s27, $0x1;
	_ =	strace $0x80000049;
	[dreg:$0x1] =	wrdreg $0xFFFFFFFF  }
0x1f: {  	s28 =	simm.s32 $_size_execute0_lowered;
	s3 =	sadd.s32 s3, s5;
	[dreg:$0x0] =	wrdreg $0x0  }
0x20: {  	s5 =	sshll.u32 s28, $0x1;
	[dreg:$0x2] =	wrdreg s3  }
0x21: {  	[dreg:$0x3] =	wrdreg s5  }
0x22: {  	[dreg:$0x4] =	wrdreg $0xC0  }
0x23: {  	_ =	task [dreg:s7], $0x5FFFF  }
0x24: {  	[dreg:$0x1] =	wrdreg $0xFFFFFFFF  }
0x25: {  	[dreg:$0x0] =	wrdreg $0x60  }
0x26: {  	[dreg:$0x2] =	wrdreg s25  }
0x27: {  	[dreg:$0x3] =	wrdreg s2  }
0x28: {  	[dreg:$0x4] =	wrdreg $0x9  }
0x29: {  	_ =	task.clear_ibuf [dreg:s7], $0x5FFFF;
	_ =	strace $0x90000049  }
0x2a: {  	s29 =	simm.s32 $0x9;
	_ =	strace $0x8000004B  }
0x2b: {  	_ =	swait.ge [sflag:s29], $0x1  }
0x2c: {  	[sflag:s29] =	ssyncadd.s32 $0xFFFFFFFF  }
0x2d: {  	_ =	strace $0x9000004B  }
0x2e: {  	_ =	sfence  }
0x2f: {  	s30 =	sld [smem:$0x0];
	_ =	sdelay $0x2  }
0x30: {  	s31 =	sshll.u32 s1, $0xD;
	s1 =	sshrl.u32 s1, $0x2  }
0x31: {  	s3 =	sand.u32 $0x4000, s31;
	s1 =	sadd.s32 s1, s30  }
0x32: {  	s0 =	sor.u32 s3, s0;
	s1 =	sshll.u32 s1, $0x11  }
0x33: {  	s0 =	sor.u32 s1, s0  }
0x34: {  	s0 =	sadd.s32 $0x8F2B, s0  }
0x35: {  	[sflag:s0] =	ssyncadd.remote.s32 $0x1  }
0x36: {  	_ =	sfence.sel $0xFFFF  }
0x37: {  	[dreg:$0x0] =	wrdreg $0xFFFFFFFF;
	(pc) =	sbr.abs _section_cstart, $3  }
0x38: {  	[dreg:$0x1] =	wrdreg $0xFFFFFFFF  }
0x39: {  	_ =	task.clear_ibuf [dreg:s7], $0x2FFFF;
	_ =	strace $0x9FFFFFFF  }
0x3a: {  	(tm) =	ssettm $0x7FFFFFFF  }
0x3b: {  	_ =	shalt  }
tec
execute0_lowered:
.L_overlay_start_1:
0x0: {  	(tag) =	ssettag $0x1  }
0x1: {  	s0 =	stileid.u32;
	s6 =	rddreg [dreg:$0x0]  }
0x2: {  	s2 =	rddreg [dreg:$0x1];
	s5 =	srdreg.scid  }
0x3: {  	s31 =	simm.s32 $0x2;
	s13 =	simm.s32 $0x0;
	s1 =	sshll.u32 s0, $0x7  }
0x4: {  	s14 =	simm.s32 $0x0;
	s12 =	simm.s32 $0x0;
	s3 =	sand.u32 $0x380, s1  }
0x5: {  	s5 =	sshll.u32 s5, $0x4;
	s6 =	sadd.s32 $0xC00, s6;
	s4 =	ssub.s32 $0x400, s3  }
0x6: {  	s1 =	rddreg [dreg:$0x2];
	_ =	strace $0x8000004A;
	s7 =	sand.u32 $0x380, s4  }
0x7: {  	s5 =	sand.u32 $0x10, s5;
	p0 =	sne.s32 s7, $0x0;
	s7 =	simm.s32 $0x1  }
.Ltmp0:
0x8: {  	s8 =	sshrl.u32 s4, $0xA;
	s7 =	simm.s32 @!p0 $0x0;
	(pc) =	sbr.rel .LBB1_1-.Ltmp0, $4  }
0x9: {  	s9 =	sor.u32 s0, s5;
	s4 =	simm.s32 $0x1;
	s30 =	sadd.s32 s7, s8  }
0xa: {  	s11 =	smov.u32 s3;
	[sflag:s4] =	ssyncpa.u1 $0x0;
	s5 =	smul.u32 $0x19, s30  }
0xb: {  	[sflag:s31] =	ssyncpa.u1 $0x0;
	p0 =	por $0x0, $0x0;
	s7 =	sshrl.u32 s9, $0x3  }
0xc: {  	s9 =	simm.s32 $0x2000;
	s10 =	smov.u32 s7;
	s8 =	sadd.s32 $0x1, s5  }
.LBB1_4:
0xd: {  	v5 =	vld [tilespmem:s18+$0xFFFFFFD0];
	[tilespmem:s17+$0x2040 ss:$0x81] =	vst.msk $0xffff, v1  }
0xe: {  	v58 =	vld [tilespmem:s18+$0xFFFFFFE0];
	[tilespmem:s17+$0x2850 ss:$0x81] =	vst.msk $0xffff, v2  }
0xf: {  	s19 =	sshra.s32 s19, $0x2;
	v59 =	vld [tilespmem:s18+$0xFFFFFFF0];
	[tilespmem:s17+$0x3060 ss:$0x81] =	vst.msk $0xffff, v3  }
0x10: {  	v60 =	vld [tilespmem:s18+$0x0];
	[tilespmem:s17+$0x0 ss:$0x81] =	vst.msk $0xffff, v0;
	s16 =	sadd.s32 s19, s16  }
0x11: {  	v61 =	vld [tilespmem:s18+$0x10];
	[tilespmem:s16+$0x3870 ss:$0x81] =	vst.msk $0xffff, v4  }
0x12: {  	v62 =	vld [tilespmem:s18+$0x20];
	[tilespmem:s16+$0x810 ss:$0x81] =	vst.msk $0xffff, v5  }
0x13: {  	v63 =	vld [tilespmem:s18+$0xFFFFFFC0];
	[tilespmem:s16+$0x1020 ss:$0x81] =	vst.msk $0xffff, v58  }
0x14: {  	[tilespmem:s16+$0x1830 ss:$0x81] =	vst.msk $0xffff, v59  }
0x15: {  	s29 =	sand.u32 $0x3F80, s14;
	s13 =	sshll.u32 s13, $0xE;
	[tilespmem:s16+$0x2040 ss:$0x81] =	vst.msk $0xffff, v60  }
0x16: {  	s30 =	sshrl.u32 s14, $0x3;
	s31 =	sand.u32 $0x7, s14;
	s17 =	sadd.s32 s2, s29;
	[tilespmem:s16+$0x2850 ss:$0x81] =	vst.msk $0xffff, v61  }
0x17: {  	s18 =	sand.u32 $0xF, s30;
	s14 =	sshll.u32 s31, $0x12;
	s13 =	sadd.s32 s13, s17;
	[tilespmem:s16+$0x3060 ss:$0x81] =	vst.msk $0xffff, v62  }
0x18: {  	s14 =	sor.u32 $0x400, s14;
	s13 =	sadd.s32 s18, s13;
	[tilespmem:s16+$0x0 ss:$0x81] =	vst.msk $0xffff, v63  }
0x19: {  	[hbm4b:s13+s14] =	stream.strided.scatter [tilespmem:s15], [sflag:$0x2], $0x4000, s9, s14, $0x20;
	[tilespmem:$0x10100] =	vst v63  }
.LBB1_5:
0x1a: {  	s15 =	sadd.s32 $0x4, s10  }
0x1b: {  	s13 =	sadd.s32 $0x400, s11;
	s17 =	smov.u32 s11;
	p2 =	sgt.s32 s15, $0x63  }
0x1c: {  	s17 =	smov.u32 @p2 s13  }
0x1d: {  	s15 =	smov.u32 @p2 s7;
	p2 =	sgt.s32 s17, $0x3FF  }
0x1e: {  	s17 =	smov.u32 @p2 s3;
	p2 =	sne.s32 s12, s8  }
.Ltmp1:
0x1f: {  	p1 =	slt.u32 s12, $0x2;
	(pc) =	sbr.rel @!p2 .LBB1_6-.Ltmp1, $4  }
0x20: {  	s16 =	simm.s32 @!p1 $0x2  }
0x21: {  	s14 =	smov.u32 s11;
	p0 =	por !p0, !p0;
	_ =	swait.ge @!p1 [sflag:s16], $0x4000  }
0x22: {  	s13 =	smov.u32 s10;
	[sflag:s16] =	ssyncset.done @!p1 $0x0;
	s10 =	smov.u32 s15  }
0x23: {  	s12 =	sadd.s32 $0x1, s12;
	[sflag:s16] =	ssyncadd.s32 @!p1 $0xFFFFC000;
	s11 =	smov.u32 s17  }
.LBB1_1:
0x24: {  	p1 =	sge.u32 s12, s5  }
0x25: {  	s15 =	sand.u32 @!p1 $0x1FFFFFF, s10  }
0x26: {  	s16 =	smulhi.u32 @!p1 $0x2762763, s15;
	_ =	sdelay $0x1  }
0x27: {  	s16 =	smul.u32 @!p1 $0x68, s16  }
0x28: {  	s17 =	sxor.u32 @!p1 $0xFFFFFFFF, s12;
	s18 =	smul.u32 @!p1 $0x680, s11  }
0x29: {  	s31 =	sadd.s32 $0xFFFFFFFF, s12;
	s17 =	sshll.u32 @!p1 s17, $0xE;
	s15 =	ssub.s32 @!p1 s15, s16  }
0x2a: {  	s16 =	sand.u32 @!p1 $0x4000, s17;
	s17 =	sadd.s32 @!p1 s6, s18;
	s15 =	sshll.u32 @!p1 s15, $0x4  }
0x2b: {  	s18 =	simm.s32 @!p1 $0x3400;
	s15 =	sadd.s32 @!p1 s15, s17;
	s17 =	simm.s32 @!p1 $0x80  }
0x2c: {  	[tilespmem:s16], [sflag:$0x1] =	stream.strided.gather @!p1 [hbm4b:s15+s17], $0x4000, s18, s17, $0x38;
	[tilespmem:$0x10100] =	vst v63  }
0x2d: {  	p1 =	sge.u32 s31, s5  }
.Ltmp2:
0x2e: {  	_ = 	snop;
	(pc) =	sbr.rel @p1 .LBB1_5-.Ltmp2, $1  }
0x2f: {  	_ =	sdelay $0x3  }
0x30: {  	s15 =	simm.s32 $0x1  }
0x31: {  	_ =	swait.ge [sflag:s4], $0x4000;
	s15 =	simm.s32 @!p0 $0x0  }
0x32: {  	[sflag:s4] =	ssyncset.done $0x0;
	s16 =	sshll.u32 s15, $0xE  }
0x33: {  	[sflag:s4] =	ssyncadd.s32 $0xFFFFC000;
	s18 =	sor.u32 $0x40, s16  }
0x34: {  	s15 =	smul.u32 $0x10200, s15;
	v0 =	vld [tilespmem:s18+$0x30]  }
0x35: {  	v3 =	vld [tilespmem:s18+$0xFFFFFFD0]  }
0x36: {  	s15 =	sshrl.u32 s15, $0x2;
	v4 =	vld [tilespmem:s18+$0xFFFFFFE0]  }
0x37: {  	v5 =	vld [tilespmem:s18+$0xFFFFFFF0];
	s16 =	sor.u32 $0x8000, s15  }
0x38: {  	s31 =	sand.u32 $0x1, s12;
	v1 =	vld [tilespmem:s18+$0x0];
	s17 =	sadd.s32 $0x0, s16  }
0x39: {  	v2 =	vld [tilespmem:s18+$0x10];
	s15 =	smul.u32 $0x10200, s31;
	[tilespmem:s17+$0x3870 ss:$0x81] =	vst.msk $0xffff, v0  }
0x3a: {  	[tilespmem:s17+$0x810 ss:$0x81] =	vst.msk $0xffff, v3;
	v3 =	vld [tilespmem:s18+$0x20]  }
0x3b: {  	s15 =	sshrl.u32 s15, $0x2;
	v0 =	vld [tilespmem:s18+$0xFFFFFFC0];
	[tilespmem:s17+$0x1020 ss:$0x81] =	vst.msk $0xffff, v4;
	s18 =	sadd.s32 $0x80, s18  }
0x3c: {  	s19 =	simm.s32 $0x4;
	s20 =	simm.s32 $0x8;
	s15 =	sor.u32 $0x8000, s15;
	[tilespmem:s17+$0x1830 ss:$0x81] =	vst.msk $0xffff, v5;
	v4 =	vld [tilespmem:s18+$0x30]  }
.LBB1_3:
0x3d: {  	p1 =	sne.s32 s20, $0x1FC;
	v5 =	vld [tilespmem:s18+$0xFFFFFFD0];
	[tilespmem:s17+$0x2040 ss:$0x81] =	vst.msk $0xffff, v1  }
0x3e: {  	v6 =	vld [tilespmem:s18+$0xFFFFFFE0];
	[tilespmem:s17+$0x2850 ss:$0x81] =	vst.msk $0xffff, v2  }
0x3f: {  	s21 =	sshra.s32 s19, $0x2;
	s19 =	smov.u32 s20;
	v7 =	vld [tilespmem:s18+$0xFFFFFFF0];
	[tilespmem:s17+$0x3060 ss:$0x81] =	vst.msk $0xffff, v3  }
.Ltmp3:
0x40: {  	v1 =	vld [tilespmem:s18+$0x0];
	[tilespmem:s17+$0x0 ss:$0x81] =	vst.msk $0xffff, v0;
	s17 =	sadd.s32 s21, s16;
	(pc) =	sbr.rel @p1 .LBB1_3-.Ltmp3, $4  }
0x41: {  	v2 =	vld [tilespmem:s18+$0x10];
	[tilespmem:s17+$0x3870 ss:$0x81] =	vst.msk $0xffff, v4  }
0x42: {  	[tilespmem:s17+$0x810 ss:$0x81] =	vst.msk $0xffff, v5;
	v3 =	vld [tilespmem:s18+$0x20]  }
0x43: {  	v0 =	vld [tilespmem:s18+$0xFFFFFFC0];
	[tilespmem:s17+$0x1020 ss:$0x81] =	vst.msk $0xffff, v6;
	s18 =	sadd.s32 $0x80, s18  }
0x44: {  	s20 =	sadd.s32 $0x4, s20;
	v4 =	vld [tilespmem:s18+$0x30];
	[tilespmem:s17+$0x1830 ss:$0x81] =	vst.msk $0xffff, v7  }
.Ltmp4:
0x45: {  	_ = 	snop;
	(pc) =	sbr.rel .LBB1_4-.Ltmp4, $1  }
0x46: {  	_ =	sdelay $0x3  }
.LBB1_6:
0x47: {  	_ =	sfence.sel $0x180000  }
0x48: {  	s2 =	simm.s32 $0x1;
	[bflag:$0x0] =	sbarrier.arrive $0xFFFF  }
0x49: {  	s31 =	simm.s32 $0x2;
	[sflag:s2] =	ssyncpa.u1 $0x1  }
0x4a: {  	[sflag:s31] =	ssyncpa.u1 $0x1  }
0x4b: {  	p0 =	sne.s32 s0, $0x0;
	_ =	strace $0x9000004A  }
0x4c: {  	s0 =	sadd.s32 @!p0 $0x100000, s1;
	[bflag:$0x2] =	sbarrier.arrive $0xFFFF  }
0x4d: {  	[sflag:s0] =	ssyncadd.tile.s32 @!p0 $0x1;
	_ =	shalt  }
.Lfunc_end1:
_tile_overlayer_lowered:
.L_overlay_start_2:
0x4e: {  	(tag) =	ssettag $0x2  }
0x4f: {  	s0 =	rddreg [dreg:$0x0];
	s2 =	stileid.u32  }
0x50: {  	s1 =	rddreg [dreg:$0x1];
	p0 =	sne.s32 s2, $0x0  }
0x51: {  	s3 =	rddreg [dreg:$0x2];
	[bflag:$0x3] =	sbarrier.arrive $0xFFFF;
	s2 =	simm.s32 @!p0 $0x1C01  }
0x52: {  	[timem:s3], [sflag:s2] =	dma.local @!p0 [hbm:s0], s1  }
0x53: {  	s0 =	simm.s32 @!p0 $0x1  }
0x54: {  	_ =	swait.ge @!p0 [sflag:s0], s1  }
0x55: {  	s1 =	ssub.s32 @!p0 $0x0, s1;
	[sflag:s0] =	ssyncset.done @!p0 $0x0  }
0x56: {  	[sflag:s0] =	ssyncadd.s32 @!p0 s1  }
0x57: {  	[bflag:$0x3] =	sbarrier.arrive $0xFFFF  }
0x58: {  	_ =	shalt  }

</sc_bundles>
